<compile_context>
chip_gen: v7x
topology: tpu7x:2x2x1
jax: 0.10.2.dev20260603
libtpu: 0.0.44.dev20260713+nightly
codegen_flags: <defaults>
</compile_context>

<pallas_src>
import functools
import jax
import jax.numpy as jnp
from jax import lax
from jax.experimental import pallas as pl
from jax.experimental.pallas import tpu as pltpu
from jax.experimental.pallas import tpu_sc as plsc

_N_EXP = 2
_D = 1024
_NA = 16
_TILE = 256
_N = 2048
_NT = _N // _TILE + 1
_NPAD = _NT * _TILE
_SMALL = 128
_NW = 32
_CHUNK = _N // _NW


def _route_body(f_ref, dest_ref, te_ref):
    f = f_ref[...]
    rows, cols = 8, 256
    ki = lax.broadcasted_iota(jnp.int32, (cols, cols), 0)
    kj = lax.broadcasted_iota(jnp.int32, (cols, cols), 1)
    upper = (ki <= kj).astype(jnp.float32)
    ones_cs = jnp.dot(f, upper, preferred_element_type=jnp.float32)
    row_tot = ones_cs[:, cols - 1:cols]
    li = lax.broadcasted_iota(jnp.int32, (rows, rows), 0)
    lj = lax.broadcasted_iota(jnp.int32, (rows, rows), 1)
    lower = (lj < li).astype(jnp.float32)
    offs = jnp.dot(lower, row_tot, preferred_element_type=jnp.float32)
    ones_excl = offs + ones_cs - f
    pi = lax.broadcasted_iota(jnp.int32, (rows, cols), 0)
    pj = lax.broadcasted_iota(jnp.int32, (rows, cols), 1)
    pos = (pi * cols + pj).astype(jnp.float32)
    zeros_excl = pos - ones_excl
    c1 = jnp.sum(f)
    c0 = jnp.float32(_N) - c1
    n0t = jnp.floor((c0 + jnp.float32(_TILE - 1)) / jnp.float32(_TILE))
    start1 = n0t * jnp.float32(_TILE)
    dest = jnp.where(f == 1.0, start1 + ones_excl, zeros_excl)
    dest_ref[...] = dest.astype(jnp.int32)
    tj = lax.broadcasted_iota(jnp.int32, (rows, _SMALL), 1)
    te_ref[...] = (tj.astype(jnp.float32) >= n0t).astype(jnp.float32)


def _route(instrf2):
    return pl.pallas_call(
        _route_body,
        out_shape=[
            jax.ShapeDtypeStruct((8, 256), jnp.int32),
            jax.ShapeDtypeStruct((8, _SMALL), jnp.float32),
        ],
    )(instrf2)


def _sc_mesh():
    return plsc.VectorSubcoreMesh(core_axis_name="c", subcore_axis_name="s",
                                  num_cores=2, num_subcores=16)


@functools.lru_cache(maxsize=None)
def _make_sc_scatter_fwd():
    @functools.partial(
        pl.kernel,
        mesh=_sc_mesh(),
        out_type=[
            jax.ShapeDtypeStruct((_NPAD, _D), jnp.float32),
            jax.ShapeDtypeStruct((_NPAD, _D), jnp.float32),
        ],
        scratch_types=[
            pltpu.VMEM((_CHUNK,), jnp.int32),
            pltpu.VMEM((_CHUNK, _D), jnp.float32),
            pltpu.SemaphoreType.DMA,
        ],
    )
    def _sc_scatter_fwd(dest_hbm, base_hbm, rnn_hbm, baseg_hbm, rnng_hbm,
                        dest_v, rowbuf, sem):
        wid = lax.axis_index("s") * 2 + lax.axis_index("c")
        off = wid * _CHUNK
        pltpu.sync_copy(dest_hbm.at[pl.ds(off, _CHUNK)], dest_v)
        pltpu.sync_copy(base_hbm.at[pl.ds(off, _CHUNK)], rowbuf)
        pltpu.async_copy(rowbuf, baseg_hbm.at[dest_v], sem).wait()
        pltpu.sync_copy(rnn_hbm.at[pl.ds(off, _CHUNK)], rowbuf)
        pltpu.async_copy(rowbuf, rnng_hbm.at[dest_v], sem).wait()

    return _sc_scatter_fwd


def _compute_body(te_ref, x_ref, r_ref, w1_ref, wh_ref, b1_ref, h_out_ref):
    x = x_ref[...]
    r = r_ref[...]
    pre = (jnp.dot(x, w1_ref[0], preferred_element_type=jnp.float32)
           + jnp.dot(r, wh_ref[0], preferred_element_type=jnp.float32)
           + b1_ref[0])
    h_out_ref[...] = jnp.tanh(pre)


def _compute(te, base_g, rnn_g, w1, wh, b1s):
    d = _D
    grid_spec = pltpu.PrefetchScalarGridSpec(
        num_scalar_prefetch=1,
        grid=(_NT,),
        in_specs=[
            pl.BlockSpec((_TILE, d), lambda t, te: (t, 0)),
            pl.BlockSpec((_TILE, d), lambda t, te: (t, 0)),
            pl.BlockSpec((1, d, d), lambda t, te: (te[t], 0, 0)),
            pl.BlockSpec((1, d, d), lambda t, te: (te[t], 0, 0)),
            pl.BlockSpec((1, 1, d), lambda t, te: (te[t], 0, 0)),
        ],
        out_specs=[
            pl.BlockSpec((_TILE, d), lambda t, te: (t, 0)),
        ],
    )
    return pl.pallas_call(
        _compute_body,
        grid_spec=grid_spec,
        out_shape=[
            jax.ShapeDtypeStruct((_NPAD, d), jnp.float32),
        ],
        compiler_params=pltpu.CompilerParams(
            dimension_semantics=("arbitrary",),
        ),
    )(te, base_g, rnn_g, w1, wh, b1s)[0]


def _head_body(instr_ref, h_ref, wc_ref, bc_ref, small_out_ref):
    h = h_ref[...]
    col = lax.broadcasted_iota(jnp.int32, (_TILE, _SMALL), 1)
    is_logit = col < _NA
    for e in range(_N_EXP):
        head = (jnp.dot(h, wc_ref[e], preferred_element_type=jnp.float32)
                + bc_ref[e])
        ml = jnp.where(is_logit, head, jnp.float32(-1e30))
        m = jnp.max(ml, axis=1, keepdims=True)
        amax = jnp.min(jnp.where((ml == m) & is_logit, col, _SMALL),
                       axis=1, keepdims=True).astype(jnp.float32)
        se = jnp.sum(jnp.where(is_logit, jnp.exp(ml - m), 0.0),
                     axis=1, keepdims=True)
        lp = -jnp.log(se)
        v = jnp.sum(jnp.where(col == _NA, head, 0.0), axis=1, keepdims=True)
        small = jnp.where(col == 0, v,
                          jnp.where(col == 1, amax,
                                    jnp.where(col == 2, lp, 0.0)))
        flag = instr_ref[...] == jnp.float32(e)
        if e == 0:
            small_out_ref[...] = jnp.where(flag, small, 0.0)
        else:
            small_out_ref[...] = jnp.where(flag, small, small_out_ref[...])


def _head(instrf, hxs, wc, bc):
    d = _D
    return pl.pallas_call(
        _head_body,
        grid=(_N // _TILE,),
        in_specs=[
            pl.BlockSpec((_TILE, 1), lambda t: (t, 0)),
            pl.BlockSpec((_TILE, d), lambda t: (t, 0)),
            pl.BlockSpec((_N_EXP, d, _SMALL), lambda t: (0, 0, 0)),
            pl.BlockSpec((_N_EXP, 1, _SMALL), lambda t: (0, 0, 0)),
        ],
        out_specs=[
            pl.BlockSpec((_TILE, _SMALL), lambda t: (t, 0)),
        ],
        out_shape=[
            jax.ShapeDtypeStruct((_N, _SMALL), jnp.float32),
        ],
        compiler_params=pltpu.CompilerParams(
            dimension_semantics=("arbitrary",),
        ),
    )(instrf, hxs, wc, bc)[0]


@functools.lru_cache(maxsize=None)
def _make_sc_gather_back():
    @functools.partial(
        pl.kernel,
        mesh=_sc_mesh(),
        out_type=[
            jax.ShapeDtypeStruct((_N, _D), jnp.float32),
        ],
        scratch_types=[
            pltpu.VMEM((_CHUNK,), jnp.int32),
            pltpu.VMEM((_CHUNK, _D), jnp.float32),
            pltpu.SemaphoreType.DMA,
        ],
    )
    def _sc_gather_back(dest_hbm, hg_hbm, h_hbm, dest_v, rowbuf, sem):
        wid = lax.axis_index("s") * 2 + lax.axis_index("c")
        off = wid * _CHUNK
        pltpu.sync_copy(dest_hbm.at[pl.ds(off, _CHUNK)], dest_v)
        pltpu.async_copy(hg_hbm.at[dest_v], rowbuf, sem).wait()
        pltpu.sync_copy(rowbuf, h_hbm.at[pl.ds(off, _CHUNK)])

    return _sc_gather_back


def kernel(base, instructions, rnn_hxs, masks, W1, b1, Wh, Wv, bv, Wa, ba):
    n, d = base.shape
    rnnm = rnn_hxs * masks
    instrf2 = instructions.astype(jnp.float32).reshape(8, 256)
    w1 = W1[:_N_EXP]
    wh = Wh[:_N_EXP]
    b1s = b1[:_N_EXP]
    pad = jnp.zeros((_N_EXP, d, _SMALL - _NA - 1), dtype=jnp.float32)
    wc = jnp.concatenate([Wa[:_N_EXP], Wv[:_N_EXP], pad], axis=-1)
    bpad = jnp.zeros((_N_EXP, _SMALL - _NA - 1), dtype=jnp.float32)
    bc = jnp.concatenate([ba[:_N_EXP], bv[:_N_EXP], bpad], axis=-1)

    b1s = b1s.reshape(_N_EXP, 1, d)
    bc = bc.reshape(_N_EXP, 1, _SMALL)

    dest2d, te2d = _route(instrf2)
    dest = dest2d.reshape(n)
    te = te2d[0, :_NT].astype(jnp.int32)

    base_g, rnn_g = _make_sc_scatter_fwd()(dest, base, rnnm)
    h_g = _compute(te, base_g, rnn_g, w1, wh, b1s)
    hxs = _make_sc_gather_back()(dest, h_g)[0]
    instrf = instructions.astype(jnp.float32).reshape(n, 1)
    small = _head(instrf, hxs, wc, bc)

    value = small[:, 0:1]
    action = small[:, 1:2].astype(jnp.int32)
    alp = small[:, 2:3]
    return value, action, alp, hxs

# --- scband reference (transcript-rebuilt; emitter-appended) ---
"""Pipeline reference for scband-interactivity-agent-84928683311548 (READ-ONLY COPY).

The authoritative reference and input builder live on the scoring server;
editing this copy changes nothing except your own understanding.
"""

import jax, jax.numpy as jnp
import numpy as np

NUM_EXPERTS = 3
D_MODEL = 1024
D_HIDDEN = 1024
N_ACTIONS = 16
N_INSTR = 2
N = 2048


def setup_inputs(seed: int = 0) -> dict:
    key = jax.random.key(seed)
    ks = jax.random.split(key, 12)
    base = jax.random.normal(ks[0], (N, D_MODEL), dtype=jnp.float32)
    instructions = jax.random.randint(ks[1], (N,), 0, N_INSTR)
    rnn_hxs = jax.random.normal(ks[2], (N, D_HIDDEN), dtype=jnp.float32)
    masks = jnp.ones((N, 1), dtype=jnp.float32)
    # per-expert (agent) parameters, stacked over the expert axis
    W1 = jax.random.normal(ks[3], (NUM_EXPERTS, D_MODEL, D_HIDDEN), dtype=jnp.float32) * (1.0 / np.sqrt(D_MODEL))
    b1 = jnp.zeros((NUM_EXPERTS, D_HIDDEN), dtype=jnp.float32)
    Wh = jax.random.normal(ks[4], (NUM_EXPERTS, D_HIDDEN, D_HIDDEN), dtype=jnp.float32) * (1.0 / np.sqrt(D_HIDDEN))
    Wv = jax.random.normal(ks[5], (NUM_EXPERTS, D_HIDDEN, 1), dtype=jnp.float32) * (1.0 / np.sqrt(D_HIDDEN))
    bv = jnp.zeros((NUM_EXPERTS, 1), dtype=jnp.float32)
    Wa = jax.random.normal(ks[6], (NUM_EXPERTS, D_HIDDEN, N_ACTIONS), dtype=jnp.float32) * (1.0 / np.sqrt(D_HIDDEN))
    ba = jnp.zeros((NUM_EXPERTS, N_ACTIONS), dtype=jnp.float32)
    return {"base": base, "instructions": instructions, "rnn_hxs": rnn_hxs, "masks": masks,
            "W1": W1, "b1": b1, "Wh": Wh, "Wv": Wv, "bv": bv, "Wa": Wa, "ba": ba}


def reference(base, instructions, rnn_hxs, masks, W1, b1, Wh, Wv, bv, Wa, ba):
    Nloc = base.shape[0]
    # agent_idxs = one_hot(instructions) @ arange(1, len(agents)) - 1 (faithful to the torch code)
    onehot = jax.nn.one_hot(instructions, N_INSTR, dtype=jnp.float32)
    agent_idxs = onehot @ jnp.arange(1, NUM_EXPERTS, dtype=jnp.float32) - 1.0
    idx = agent_idxs.astype(jnp.int32)
    value = jnp.zeros((Nloc, 1), dtype=jnp.float32)
    action = jnp.zeros((Nloc, 1), dtype=jnp.int32)
    action_log_probs = jnp.zeros((Nloc, 1), dtype=jnp.float32)
    hxs_out = jnp.zeros((Nloc, D_HIDDEN), dtype=jnp.float32)
    for i in range(NUM_EXPERTS):
        j = (idx == i)[:, None]
        # agent i forward (deterministic): recurrent-style MLP head
        h = jnp.tanh(base @ W1[i] + (rnn_hxs * masks) @ Wh[i] + b1[i])
        v = h @ Wv[i] + bv[i]
        logits = h @ Wa[i] + ba[i]
        a = jnp.argmax(logits, axis=-1)[:, None]
        logp = jax.nn.log_softmax(logits, axis=-1)
        lp = jnp.take_along_axis(logp, a, axis=-1)
        # scatter agent outputs back into combined buffers at routed positions
        value = jnp.where(j, v, value)
        action = jnp.where(j, a.astype(jnp.int32), action)
        action_log_probs = jnp.where(j, lp, action_log_probs)
        hxs_out = jnp.where(j, h, hxs_out)
    return value, action, action_log_probs, hxs_out

if __name__ == "__main__":
    import jax
    _d = setup_inputs()
    print(jax.jit(kernel)(*tuple(_d.values())))

</pallas_src>

<mosaic_0001>
#map = affine_map<(d0, d1) -> (0)>
#map1 = affine_map<(d0, d1) -> (0, 0)>
module attributes {stable_mosaic.version = 14 : i64} {
  func.func @_sc_gather_back(%arg0: i32, %arg1: i32, %arg2: memref<2048xi32, #tpu.memory_space<hbm>>, %arg3: memref<2304x1024xf32, #tpu.memory_space<hbm>>, %arg4: memref<2048x1024xf32, #tpu.memory_space<hbm>>, %arg5: memref<64xi32, #tpu.memory_space<vmem>>, %arg6: memref<64x1024xf32, #tpu.memory_space<vmem>>, %arg7: memref<!tpu.dma_semaphore, #tpu.memory_space<semaphore_mem>>) attributes {dimension_semantics = [#tpu.dimension_semantics<core_parallel>, #tpu.dimension_semantics<subcore_parallel>], iteration_bounds = array<i64: 2, 16>, scalar_prefetch = 0 : i64, scratch_operands = 3 : i64, tpu.core_type = #tpu.core_type<sc_vector_subcore>, window_params = [{transform_indices = #map}, {transform_indices = #map1}, {transform_indices = #map1}]} {
    %mul3A = arith.constant 2 : i32
    %mul3A_0 = arith.muli %arg1, %mul3A : i32
    %add3A = arith.addi %mul3A_0, %arg0 : i32
    %mul3A_1 = arith.constant 64 : i32
    %mul3A_2 = arith.muli %add3A, %mul3A_1 : i32
    "tpu.region"() ({
      %run_scoped3A = tpu.sem_alloc : memref<!tpu.dma_semaphore, #tpu.memory_space<semaphore_mem>>
      %dma_start3A_7 = tpu.memref_slice %arg2[%mul3A_2] : memref<2048xi32, #tpu.memory_space<hbm>> -> memref<64xi32, #tpu.memory_space<hbm>>
      %dma_start3A_8 = tpu.memref_slice %arg2[%mul3A_2] : memref<2048xi32, #tpu.memory_space<hbm>> -> memref<64xi32, #tpu.memory_space<hbm>>
      tpu.enqueue_dma source(%dma_start3A_8 : memref<64xi32, #tpu.memory_space<hbm>>) target(%arg5 : memref<64xi32, #tpu.memory_space<vmem>>) target_semaphore(%run_scoped3A : memref<!tpu.dma_semaphore, #tpu.memory_space<semaphore_mem>>)
      %dma_wait3A_9 = tpu.memref_slice %arg2[%mul3A_2] : memref<2048xi32, #tpu.memory_space<hbm>> -> memref<64xi32, #tpu.memory_space<hbm>>
      %dma_wait3A_10 = tpu.memref_slice %arg2[%mul3A_2] : memref<2048xi32, #tpu.memory_space<hbm>> -> memref<64xi32, #tpu.memory_space<hbm>>
      tpu.wait_dma2 semaphore(%run_scoped3A : memref<!tpu.dma_semaphore, #tpu.memory_space<semaphore_mem>>) src(%dma_wait3A_10 : memref<64xi32, #tpu.memory_space<hbm>>) dst(%arg5 : memref<64xi32, #tpu.memory_space<vmem>>)
      tpu.yield
    }) : () -> ()
    %dma_start3A = arith.constant 0 : i32
    %dma_start3A_3 = arith.constant 0 : i32
    %dma_start3A_4 = tpu.memref_slice %arg3[%dma_start3A, %dma_start3A_3] : memref<2304x1024xf32, #tpu.memory_space<hbm>> -> memref<2304x1024xf32, #tpu.memory_space<hbm>>
    tpu.enqueue_indirect_dma source(%dma_start3A_4 : memref<2304x1024xf32, #tpu.memory_space<hbm>>) target(%arg6 : memref<64x1024xf32, #tpu.memory_space<vmem>>) offsets(%arg5 : memref<64xi32, #tpu.memory_space<vmem>>) semaphore(%arg7 : memref<!tpu.dma_semaphore, #tpu.memory_space<semaphore_mem>>)
    %dma_wait3A = arith.constant 0 : i32
    %dma_wait3A_5 = arith.constant 0 : i32
    %dma_wait3A_6 = tpu.memref_slice %arg3[%dma_wait3A, %dma_wait3A_5] : memref<2304x1024xf32, #tpu.memory_space<hbm>> -> memref<2304x1024xf32, #tpu.memory_space<hbm>>
    tpu.wait_indirect_dma semaphore(%arg7 : memref<!tpu.dma_semaphore, #tpu.memory_space<semaphore_mem>>) src(%dma_wait3A_6 : memref<2304x1024xf32, #tpu.memory_space<hbm>>) dst(%arg6 : memref<64x1024xf32, #tpu.memory_space<vmem>>)
    "tpu.region"() ({
      %run_scoped3A = tpu.sem_alloc : memref<!tpu.dma_semaphore, #tpu.memory_space<semaphore_mem>>
      %dma_start3A_7 = arith.constant 0 : i32
      %dma_start3A_8 = tpu.memref_slice %arg4[%mul3A_2, %dma_start3A_7] : memref<2048x1024xf32, #tpu.memory_space<hbm>> -> memref<64x1024xf32, #tpu.memory_space<hbm>>
      %dma_start3A_9 = arith.constant 0 : i32
      %dma_start3A_10 = tpu.memref_slice %arg4[%mul3A_2, %dma_start3A_9] : memref<2048x1024xf32, #tpu.memory_space<hbm>> -> memref<64x1024xf32, #tpu.memory_space<hbm>>
      tpu.enqueue_dma source(%arg6 : memref<64x1024xf32, #tpu.memory_space<vmem>>) target(%dma_start3A_10 : memref<64x1024xf32, #tpu.memory_space<hbm>>) target_semaphore(%run_scoped3A : memref<!tpu.dma_semaphore, #tpu.memory_space<semaphore_mem>>)
      %dma_wait3A_11 = arith.constant 0 : i32
      %dma_wait3A_12 = tpu.memref_slice %arg4[%mul3A_2, %dma_wait3A_11] : memref<2048x1024xf32, #tpu.memory_space<hbm>> -> memref<64x1024xf32, #tpu.memory_space<hbm>>
      %dma_wait3A_13 = arith.constant 0 : i32
      %dma_wait3A_14 = tpu.memref_slice %arg4[%mul3A_2, %dma_wait3A_13] : memref<2048x1024xf32, #tpu.memory_space<hbm>> -> memref<64x1024xf32, #tpu.memory_space<hbm>>
      tpu.wait_dma2 semaphore(%run_scoped3A : memref<!tpu.dma_semaphore, #tpu.memory_space<semaphore_mem>>) src(%arg6 : memref<64x1024xf32, #tpu.memory_space<vmem>>) dst(%dma_wait3A_14 : memref<64x1024xf32, #tpu.memory_space<hbm>>)
      tpu.yield
    }) : () -> ()
    return
  }
}

#map = affine_map<(d0, d1) -> (0)>
#map1 = affine_map<(d0, d1) -> (0, 0)>
module attributes {stable_mosaic.version = 14 : i64} {
  func.func @_sc_scatter_fwd(%arg0: i32, %arg1: i32, %arg2: memref<2048xi32, #tpu.memory_space<hbm>>, %arg3: memref<2048x1024xf32, #tpu.memory_space<hbm>>, %arg4: memref<2048x1024xf32, #tpu.memory_space<hbm>>, %arg5: memref<2304x1024xf32, #tpu.memory_space<hbm>>, %arg6: memref<2304x1024xf32, #tpu.memory_space<hbm>>, %arg7: memref<64xi32, #tpu.memory_space<vmem>>, %arg8: memref<64x1024xf32, #tpu.memory_space<vmem>>, %arg9: memref<!tpu.dma_semaphore, #tpu.memory_space<semaphore_mem>>) attributes {dimension_semantics = [#tpu.dimension_semantics<core_parallel>, #tpu.dimension_semantics<subcore_parallel>], iteration_bounds = array<i64: 2, 16>, scalar_prefetch = 0 : i64, scratch_operands = 3 : i64, tpu.core_type = #tpu.core_type<sc_vector_subcore>, window_params = [{transform_indices = #map}, {transform_indices = #map1}, {transform_indices = #map1}, {transform_indices = #map1}, {transform_indices = #map1}]} {
    %mul3A = arith.constant 2 : i32
    %mul3A_0 = arith.muli %arg1, %mul3A : i32
    %add3A = arith.addi %mul3A_0, %arg0 : i32
    %mul3A_1 = arith.constant 64 : i32
    %mul3A_2 = arith.muli %add3A, %mul3A_1 : i32
    "tpu.region"() ({
      %run_scoped3A = tpu.sem_alloc : memref<!tpu.dma_semaphore, #tpu.memory_space<semaphore_mem>>
      %dma_start3A_13 = tpu.memref_slice %arg2[%mul3A_2] : memref<2048xi32, #tpu.memory_space<hbm>> -> memref<64xi32, #tpu.memory_space<hbm>>
      %dma_start3A_14 = tpu.memref_slice %arg2[%mul3A_2] : memref<2048xi32, #tpu.memory_space<hbm>> -> memref<64xi32, #tpu.memory_space<hbm>>
      tpu.enqueue_dma source(%dma_start3A_14 : memref<64xi32, #tpu.memory_space<hbm>>) target(%arg7 : memref<64xi32, #tpu.memory_space<vmem>>) target_semaphore(%run_scoped3A : memref<!tpu.dma_semaphore, #tpu.memory_space<semaphore_mem>>)
      %dma_wait3A_15 = tpu.memref_slice %arg2[%mul3A_2] : memref<2048xi32, #tpu.memory_space<hbm>> -> memref<64xi32, #tpu.memory_space<hbm>>
      %dma_wait3A_16 = tpu.memref_slice %arg2[%mul3A_2] : memref<2048xi32, #tpu.memory_space<hbm>> -> memref<64xi32, #tpu.memory_space<hbm>>
      tpu.wait_dma2 semaphore(%run_scoped3A : memref<!tpu.dma_semaphore, #tpu.memory_space<semaphore_mem>>) src(%dma_wait3A_16 : memref<64xi32, #tpu.memory_space<hbm>>) dst(%arg7 : memref<64xi32, #tpu.memory_space<vmem>>)
      tpu.yield
    }) : () -> ()
    "tpu.region"() ({
      %run_scoped3A = tpu.sem_alloc : memref<!tpu.dma_semaphore, #tpu.memory_space<semaphore_mem>>
      %dma_start3A_13 = arith.constant 0 : i32
      %dma_start3A_14 = tpu.memref_slice %arg3[%mul3A_2, %dma_start3A_13] : memref<2048x1024xf32, #tpu.memory_space<hbm>> -> memref<64x1024xf32, #tpu.memory_space<hbm>>
      %dma_start3A_15 = arith.constant 0 : i32
      %dma_start3A_16 = tpu.memref_slice %arg3[%mul3A_2, %dma_start3A_15] : memref<2048x1024xf32, #tpu.memory_space<hbm>> -> memref<64x1024xf32, #tpu.memory_space<hbm>>
      tpu.enqueue_dma source(%dma_start3A_16 : memref<64x1024xf32, #tpu.memory_space<hbm>>) target(%arg8 : memref<64x1024xf32, #tpu.memory_space<vmem>>) target_semaphore(%run_scoped3A : memref<!tpu.dma_semaphore, #tpu.memory_space<semaphore_mem>>)
      %dma_wait3A_17 = arith.constant 0 : i32
      %dma_wait3A_18 = tpu.memref_slice %arg3[%mul3A_2, %dma_wait3A_17] : memref<2048x1024xf32, #tpu.memory_space<hbm>> -> memref<64x1024xf32, #tpu.memory_space<hbm>>
      %dma_wait3A_19 = arith.constant 0 : i32
      %dma_wait3A_20 = tpu.memref_slice %arg3[%mul3A_2, %dma_wait3A_19] : memref<2048x1024xf32, #tpu.memory_space<hbm>> -> memref<64x1024xf32, #tpu.memory_space<hbm>>
      tpu.wait_dma2 semaphore(%run_scoped3A : memref<!tpu.dma_semaphore, #tpu.memory_space<semaphore_mem>>) src(%dma_wait3A_20 : memref<64x1024xf32, #tpu.memory_space<hbm>>) dst(%arg8 : memref<64x1024xf32, #tpu.memory_space<vmem>>)
      tpu.yield
    }) : () -> ()
    %dma_start3A = arith.constant 0 : i32
    %dma_start3A_3 = arith.constant 0 : i32
    %dma_start3A_4 = tpu.memref_slice %arg5[%dma_start3A, %dma_start3A_3] : memref<2304x1024xf32, #tpu.memory_space<hbm>> -> memref<2304x1024xf32, #tpu.memory_space<hbm>>
    tpu.enqueue_indirect_dma source(%arg8 : memref<64x1024xf32, #tpu.memory_space<vmem>>) target(%dma_start3A_4 : memref<2304x1024xf32, #tpu.memory_space<hbm>>) offsets(%arg7 : memref<64xi32, #tpu.memory_space<vmem>>) semaphore(%arg9 : memref<!tpu.dma_semaphore, #tpu.memory_space<semaphore_mem>>)
    %dma_wait3A = arith.constant 0 : i32
    %dma_wait3A_5 = arith.constant 0 : i32
    %dma_wait3A_6 = tpu.memref_slice %arg5[%dma_wait3A, %dma_wait3A_5] : memref<2304x1024xf32, #tpu.memory_space<hbm>> -> memref<2304x1024xf32, #tpu.memory_space<hbm>>
    tpu.wait_indirect_dma semaphore(%arg9 : memref<!tpu.dma_semaphore, #tpu.memory_space<semaphore_mem>>) src(%arg8 : memref<64x1024xf32, #tpu.memory_space<vmem>>) dst(%dma_wait3A_6 : memref<2304x1024xf32, #tpu.memory_space<hbm>>)
    "tpu.region"() ({
      %run_scoped3A = tpu.sem_alloc : memref<!tpu.dma_semaphore, #tpu.memory_space<semaphore_mem>>
      %dma_start3A_13 = arith.constant 0 : i32
      %dma_start3A_14 = tpu.memref_slice %arg4[%mul3A_2, %dma_start3A_13] : memref<2048x1024xf32, #tpu.memory_space<hbm>> -> memref<64x1024xf32, #tpu.memory_space<hbm>>
      %dma_start3A_15 = arith.constant 0 : i32
      %dma_start3A_16 = tpu.memref_slice %arg4[%mul3A_2, %dma_start3A_15] : memref<2048x1024xf32, #tpu.memory_space<hbm>> -> memref<64x1024xf32, #tpu.memory_space<hbm>>
      tpu.enqueue_dma source(%dma_start3A_16 : memref<64x1024xf32, #tpu.memory_space<hbm>>) target(%arg8 : memref<64x1024xf32, #tpu.memory_space<vmem>>) target_semaphore(%run_scoped3A : memref<!tpu.dma_semaphore, #tpu.memory_space<semaphore_mem>>)
      %dma_wait3A_17 = arith.constant 0 : i32
      %dma_wait3A_18 = tpu.memref_slice %arg4[%mul3A_2, %dma_wait3A_17] : memref<2048x1024xf32, #tpu.memory_space<hbm>> -> memref<64x1024xf32, #tpu.memory_space<hbm>>
      %dma_wait3A_19 = arith.constant 0 : i32
      %dma_wait3A_20 = tpu.memref_slice %arg4[%mul3A_2, %dma_wait3A_19] : memref<2048x1024xf32, #tpu.memory_space<hbm>> -> memref<64x1024xf32, #tpu.memory_space<hbm>>
      tpu.wait_dma2 semaphore(%run_scoped3A : memref<!tpu.dma_semaphore, #tpu.memory_space<semaphore_mem>>) src(%dma_wait3A_20 : memref<64x1024xf32, #tpu.memory_space<hbm>>) dst(%arg8 : memref<64x1024xf32, #tpu.memory_space<vmem>>)
      tpu.yield
    }) : () -> ()
    %dma_start3A_7 = arith.constant 0 : i32
    %dma_start3A_8 = arith.constant 0 : i32
    %dma_start3A_9 = tpu.memref_slice %arg6[%dma_start3A_7, %dma_start3A_8] : memref<2304x1024xf32, #tpu.memory_space<hbm>> -> memref<2304x1024xf32, #tpu.memory_space<hbm>>
    tpu.enqueue_indirect_dma source(%arg8 : memref<64x1024xf32, #tpu.memory_space<vmem>>) target(%dma_start3A_9 : memref<2304x1024xf32, #tpu.memory_space<hbm>>) offsets(%arg7 : memref<64xi32, #tpu.memory_space<vmem>>) semaphore(%arg9 : memref<!tpu.dma_semaphore, #tpu.memory_space<semaphore_mem>>)
    %dma_wait3A_10 = arith.constant 0 : i32
    %dma_wait3A_11 = arith.constant 0 : i32
    %dma_wait3A_12 = tpu.memref_slice %arg6[%dma_wait3A_10, %dma_wait3A_11] : memref<2304x1024xf32, #tpu.memory_space<hbm>> -> memref<2304x1024xf32, #tpu.memory_space<hbm>>
    tpu.wait_indirect_dma semaphore(%arg9 : memref<!tpu.dma_semaphore, #tpu.memory_space<semaphore_mem>>) src(%arg8 : memref<64x1024xf32, #tpu.memory_space<vmem>>) dst(%dma_wait3A_12 : memref<2304x1024xf32, #tpu.memory_space<hbm>>)
    return
  }
}

module attributes {stable_mosaic.version = 14 : i64} {
  func.func @_route_body(%arg0: memref<8x256xf32, #tpu.memory_space<vmem>>, %arg1: memref<8x256xi32, #tpu.memory_space<vmem>>, %arg2: memref<8x128xf32, #tpu.memory_space<vmem>>) attributes {dimension_semantics = [], scalar_prefetch = 0 : i64, scratch_operands = 0 : i64, tpu.core_type = #tpu.core_type<tc>} {
    %get3A = arith.constant 0 : index
    %get3A_0 = arith.constant 0 : index
    %get3A_1 = vector.load %arg0[%get3A, %get3A_0] : memref<8x256xf32, #tpu.memory_space<vmem>>, vector<8x256xf32>
    %iota3A = tpu.iota {dimensions = array<i32: 0>} : vector<256x256xi32>
    %iota3A_2 = tpu.iota {dimensions = array<i32: 1>} : vector<256x256xi32>
    %le3A = arith.cmpi sle, %iota3A, %iota3A_2 : vector<256x256xi32>
    %convert_element_type3A = arith.extui %le3A : vector<256x256xi1> to vector<256x256xi32>
    %convert_element_type3A_3 = arith.sitofp %convert_element_type3A : vector<256x256xi32> to vector<256x256xf32>
    %dot_general3A = arith.constant dense<0.000000e+00> : vector<8x256xf32>
    %dot_general3A_4 = tpu.matmul %get3A_1, %convert_element_type3A_3, %dot_general3A {dimension_numbers = #tpu.dot_dimension_numbers<[1], [0], [0], [1], [0, 0, 1, 1], [], []>, transpose_lhs_hint = false} : vector<8x256xf32>, vector<256x256xf32>, vector<8x256xf32> -> vector<8x256xf32>
    %slice3A = vector.extract_strided_slice %dot_general3A_4 {offsets = [0, 255], sizes = [8, 1], strides = [1, 1]} : vector<8x256xf32> to vector<8x1xf32>
    %iota3A_5 = tpu.iota {dimensions = array<i32: 0>} : vector<8x8xi32>
    %iota3A_6 = tpu.iota {dimensions = array<i32: 1>} : vector<8x8xi32>
    %lt3A = arith.cmpi slt, %iota3A_6, %iota3A_5 : vector<8x8xi32>
    %convert_element_type3A_7 = arith.extui %lt3A : vector<8x8xi1> to vector<8x8xi32>
    %convert_element_type3A_8 = arith.sitofp %convert_element_type3A_7 : vector<8x8xi32> to vector<8x8xf32>
    %dot_general3A_9 = arith.constant dense<0.000000e+00> : vector<8x1xf32>
    %dot_general3A_10 = tpu.matmul %convert_element_type3A_8, %slice3A, %dot_general3A_9 {dimension_numbers = #tpu.dot_dimension_numbers<[1], [0], [0], [1], [0, 0, 1, 1], [], []>, transpose_lhs_hint = false} : vector<8x8xf32>, vector<8x1xf32>, vector<8x1xf32> -> vector<8x1xf32>
    %add3A = vector.broadcast %dot_general3A_10 : vector<8x1xf32> to vector<8x256xf32>
    %add3A_11 = arith.addf %add3A, %dot_general3A_4 : vector<8x256xf32>
    %sub3A = arith.subf %add3A_11, %get3A_1 : vector<8x256xf32>
    %iota3A_12 = tpu.iota {dimensions = array<i32: 0>} : vector<8x256xi32>
    %iota3A_13 = tpu.iota {dimensions = array<i32: 1>} : vector<8x256xi32>
    %mul3A = arith.constant 256 : i32
    %mul3A_14 = vector.broadcast %mul3A : i32 to vector<8x256xi32>
    %mul3A_15 = arith.muli %iota3A_12, %mul3A_14 : vector<8x256xi32>
    %add3A_16 = arith.addi %mul3A_15, %iota3A_13 : vector<8x256xi32>
    %convert_element_type3A_17 = arith.sitofp %add3A_16 : vector<8x256xi32> to vector<8x256xf32>
    %sub3A_18 = arith.subf %convert_element_type3A_17, %sub3A : vector<8x256xf32>
    %reduce_sum3A = vector.shape_cast %get3A_1 : vector<8x256xf32> to vector<1x8x256xf32>
    %reduce_sum3A_19 = arith.constant dense<0.000000e+00> : vector<1xf32>
    %reduce_sum3A_20 = vector.multi_reduction <add>, %reduce_sum3A, %reduce_sum3A_19 [1, 2] : vector<1x8x256xf32> to vector<1xf32>
    %reduce_sum3A_21 = vector.shape_cast %reduce_sum3A_20 : vector<1xf32> to vector<1x1x1xf32>
    %reduce_sum3A_22 = vector.extract %reduce_sum3A_21[0, 0, 0] : f32 from vector<1x1x1xf32>
    %sub3A_23 = arith.constant 2.048000e+03 : f32
    %sub3A_24 = arith.subf %sub3A_23, %reduce_sum3A_22 : f32
    %add3A_25 = arith.constant 2.550000e+02 : f32
    %add3A_26 = arith.addf %sub3A_24, %add3A_25 : f32
    %div3A = arith.constant 2.560000e+02 : f32
    %div3A_27 = arith.divf %add3A_26, %div3A : f32
    %floor3A = math.floor %div3A_27 : f32
    %mul3A_28 = arith.constant 2.560000e+02 : f32
    %mul3A_29 = arith.mulf %floor3A, %mul3A_28 : f32
    %eq3A = arith.constant 1.000000e+00 : f32
    %eq3A_30 = vector.broadcast %eq3A : f32 to vector<8x256xf32>
    %eq3A_31 = arith.cmpf oeq, %get3A_1, %eq3A_30 : vector<8x256xf32>
    %add3A_32 = vector.broadcast %mul3A_29 : f32 to vector<8x256xf32>
    %add3A_33 = arith.addf %add3A_32, %sub3A : vector<8x256xf32>
    %select_n3A = arith.select %eq3A_31, %add3A_33, %sub3A_18 : vector<8x256xi1>, vector<8x256xf32>
    %convert_element_type3A_34 = arith.fptosi %select_n3A : vector<8x256xf32> to vector<8x256xi32>
    %swap3A = arith.constant 0 : index
    %swap3A_35 = arith.constant 0 : index
    %swap3A_36 = vector.load %arg1[%swap3A, %swap3A_35] : memref<8x256xi32, #tpu.memory_space<vmem>>, vector<8x256xi32>
    tpu.vector_store %arg1[%swap3A, %swap3A_35], %convert_element_type3A_34 {strides = array<i32>} : memref<8x256xi32, #tpu.memory_space<vmem>>, vector<8x256xi32>,
    %iota3A_37 = tpu.iota {dimensions = array<i32: 1>} : vector<8x128xi32>
    %convert_element_type3A_38 = arith.sitofp %iota3A_37 : vector<8x128xi32> to vector<8x128xf32>
    %ge3A = vector.broadcast %floor3A : f32 to vector<8x128xf32>
    %ge3A_39 = arith.cmpf oge, %convert_element_type3A_38, %ge3A : vector<8x128xf32>
    %convert_element_type3A_40 = arith.extui %ge3A_39 : vector<8x128xi1> to vector<8x128xi32>
    %convert_element_type3A_41 = arith.sitofp %convert_element_type3A_40 : vector<8x128xi32> to vector<8x128xf32>
    %swap3A_42 = arith.constant 0 : index
    %swap3A_43 = arith.constant 0 : index
    %swap3A_44 = vector.load %arg2[%swap3A_42, %swap3A_43] : memref<8x128xf32, #tpu.memory_space<vmem>>, vector<8x128xf32>
    tpu.vector_store %arg2[%swap3A_42, %swap3A_43], %convert_element_type3A_41 {strides = array<i32>} : memref<8x128xf32, #tpu.memory_space<vmem>>, vector<8x128xf32>,
    return
  }
}

module attributes {stable_mosaic.version = 14 : i64} {
  func.func @_compute_body(%arg0: i32, %arg1: memref<9xi32, #tpu.memory_space<smem>>, %arg2: memref<256x1024xf32, #tpu.memory_space<vmem>>, %arg3: memref<256x1024xf32, #tpu.memory_space<vmem>>, %arg4: memref<1x1024x1024xf32, #tpu.memory_space<vmem>>, %arg5: memref<1x1024x1024xf32, #tpu.memory_space<vmem>>, %arg6: memref<1x1x1024xf32, #tpu.memory_space<vmem>>, %arg7: memref<256x1024xf32, #tpu.memory_space<vmem>>) attributes {dimension_semantics = [#tpu.dimension_semantics<arbitrary>], iteration_bounds = array<i64: 9>, scalar_prefetch = 1 : i64, scratch_operands = 0 : i64, tpu.core_type = #tpu.core_type<tc>, window_params = [{transform_indices = @transform_0, window_bounds = array<i64: 256, 1024>}, {transform_indices = @transform_1, window_bounds = array<i64: 256, 1024>}, {transform_indices = @transform_2, window_bounds = array<i64: 1, 1024, 1024>}, {transform_indices = @transform_3, window_bounds = array<i64: 1, 1024, 1024>}, {transform_indices = @transform_4, window_bounds = array<i64: 1, 1, 1024>}, {transform_indices = @transform_5, window_bounds = array<i64: 256, 1024>}]} {
    %get3A = arith.constant 0 : index
    %get3A_0 = arith.constant 0 : index
    %get3A_1 = vector.load %arg2[%get3A, %get3A_0] : memref<256x1024xf32, #tpu.memory_space<vmem>>, vector<256x1024xf32>
    %get3A_2 = arith.constant 0 : index
    %get3A_3 = arith.constant 0 : index
    %get3A_4 = vector.load %arg3[%get3A_2, %get3A_3] : memref<256x1024xf32, #tpu.memory_space<vmem>>, vector<256x1024xf32>
    %get3A_5 = arith.constant 0 : index
    %get3A_6 = arith.constant 0 : index
    %get3A_7 = arith.constant 0 : index
    %get3A_8 = vector.load %arg4[%get3A_5, %get3A_6, %get3A_7] : memref<1x1024x1024xf32, #tpu.memory_space<vmem>>, vector<1x1024x1024xf32>
    %get3A_9 = vector.shape_cast %get3A_8 : vector<1x1024x1024xf32> to vector<1024x1024xf32>
    %dot_general3A = arith.constant dense<0.000000e+00> : vector<256x1024xf32>
    %dot_general3A_10 = tpu.matmul %get3A_1, %get3A_9, %dot_general3A {dimension_numbers = #tpu.dot_dimension_numbers<[1], [0], [0], [1], [0, 0, 1, 1], [], []>, transpose_lhs_hint = false} : vector<256x1024xf32>, vector<1024x1024xf32>, vector<256x1024xf32> -> vector<256x1024xf32>
    %get3A_11 = arith.constant 0 : index
    %get3A_12 = arith.constant 0 : index
    %get3A_13 = arith.constant 0 : index
    %get3A_14 = vector.load %arg5[%get3A_11, %get3A_12, %get3A_13] : memref<1x1024x1024xf32, #tpu.memory_space<vmem>>, vector<1x1024x1024xf32>
    %get3A_15 = vector.shape_cast %get3A_14 : vector<1x1024x1024xf32> to vector<1024x1024xf32>
    %dot_general3A_16 = arith.constant dense<0.000000e+00> : vector<256x1024xf32>
    %dot_general3A_17 = tpu.matmul %get3A_4, %get3A_15, %dot_general3A_16 {dimension_numbers = #tpu.dot_dimension_numbers<[1], [0], [0], [1], [0, 0, 1, 1], [], []>, transpose_lhs_hint = false} : vector<256x1024xf32>, vector<1024x1024xf32>, vector<256x1024xf32> -> vector<256x1024xf32>
    %add3A = arith.addf %dot_general3A_10, %dot_general3A_17 : vector<256x1024xf32>
    %get3A_18 = arith.constant 0 : index
    %get3A_19 = arith.constant 0 : index
    %get3A_20 = arith.constant 0 : index
    %get3A_21 = vector.load %arg6[%get3A_18, %get3A_19, %get3A_20] : memref<1x1x1024xf32, #tpu.memory_space<vmem>>, vector<1x1x1024xf32>
    %get3A_22 = vector.shape_cast %get3A_21 : vector<1x1x1024xf32> to vector<1x1024xf32>
    %add3A_23 = vector.broadcast %get3A_22 : vector<1x1024xf32> to vector<256x1024xf32>
    %add3A_24 = arith.addf %add3A, %add3A_23 : vector<256x1024xf32>
    %tanh3A = math.tanh %add3A_24 : vector<256x1024xf32>
    %swap3A = arith.constant 0 : index
    %swap3A_25 = arith.constant 0 : index
    %swap3A_26 = vector.load %arg7[%swap3A, %swap3A_25] : memref<256x1024xf32, #tpu.memory_space<vmem>>, vector<256x1024xf32>
    tpu.vector_store %arg7[%swap3A, %swap3A_25], %tanh3A {strides = array<i32>} : memref<256x1024xf32, #tpu.memory_space<vmem>>, vector<256x1024xf32>,
    return
  }
  func.func @transform_0(%arg0: i32, %arg1: memref<9xi32, #tpu.memory_space<smem>>) -> (i32, i32) {
    %c0_i32 = arith.constant 0 : i32
    %c0_i32_0 = arith.constant 0 : i32
    return %arg0, %c0_i32 : i32, i32
  }
  func.func @transform_1(%arg0: i32, %arg1: memref<9xi32, #tpu.memory_space<smem>>) -> (i32, i32) {
    %c0_i32 = arith.constant 0 : i32
    %c0_i32_0 = arith.constant 0 : i32
    return %arg0, %c0_i32 : i32, i32
  }
  func.func @transform_2(%arg0: i32, %arg1: memref<9xi32, #tpu.memory_space<smem>>) -> (i32, i32, i32) {
    %get3A = arith.index_cast %arg0 : i32 to index
    %get3A_0 = memref.load %arg1[%get3A] : memref<9xi32, #tpu.memory_space<smem>>
    %c0_i32 = arith.constant 0 : i32
    %c0_i32_1 = arith.constant 0 : i32
    %c0_i32_2 = arith.constant 0 : i32
    return %get3A_0, %c0_i32, %c0_i32_1 : i32, i32, i32
  }
  func.func @transform_3(%arg0: i32, %arg1: memref<9xi32, #tpu.memory_space<smem>>) -> (i32, i32, i32) {
    %get3A = arith.index_cast %arg0 : i32 to index
    %get3A_0 = memref.load %arg1[%get3A] : memref<9xi32, #tpu.memory_space<smem>>
    %c0_i32 = arith.constant 0 : i32
    %c0_i32_1 = arith.constant 0 : i32
    %c0_i32_2 = arith.constant 0 : i32
    return %get3A_0, %c0_i32, %c0_i32_1 : i32, i32, i32
  }
  func.func @transform_4(%arg0: i32, %arg1: memref<9xi32, #tpu.memory_space<smem>>) -> (i32, i32, i32) {
    %get3A = arith.index_cast %arg0 : i32 to index
    %get3A_0 = memref.load %arg1[%get3A] : memref<9xi32, #tpu.memory_space<smem>>
    %c0_i32 = arith.constant 0 : i32
    %c0_i32_1 = arith.constant 0 : i32
    %c0_i32_2 = arith.constant 0 : i32
    return %get3A_0, %c0_i32, %c0_i32_1 : i32, i32, i32
  }
  func.func @transform_5(%arg0: i32, %arg1: memref<9xi32, #tpu.memory_space<smem>>) -> (i32, i32) {
    %c0_i32 = arith.constant 0 : i32
    %c0_i32_0 = arith.constant 0 : i32
    return %arg0, %c0_i32 : i32, i32
  }
}

module attributes {stable_mosaic.version = 14 : i64} {
  func.func @_head_body(%arg0: i32, %arg1: memref<256x1xf32, #tpu.memory_space<vmem>>, %arg2: memref<256x1024xf32, #tpu.memory_space<vmem>>, %arg3: memref<2x1024x128xf32, #tpu.memory_space<vmem>>, %arg4: memref<2x1x128xf32, #tpu.memory_space<vmem>>, %arg5: memref<256x128xf32, #tpu.memory_space<vmem>>) attributes {dimension_semantics = [#tpu.dimension_semantics<arbitrary>], iteration_bounds = array<i64: 8>, scalar_prefetch = 0 : i64, scratch_operands = 0 : i64, tpu.core_type = #tpu.core_type<tc>, window_params = [{transform_indices = @transform_0, window_bounds = array<i64: 256, 1>}, {transform_indices = @transform_1, window_bounds = array<i64: 256, 1024>}, {pipeline_mode = #tpu.pipeline_mode<synchronous>, transform_indices = @transform_2, window_bounds = array<i64: 2, 1024, 128>}, {pipeline_mode = #tpu.pipeline_mode<synchronous>, transform_indices = @transform_3, window_bounds = array<i64: 2, 1, 128>}, {transform_indices = @transform_4, window_bounds = array<i64: 256, 128>}]} {
    %get3A = arith.constant 0 : index
    %get3A_0 = arith.constant 0 : index
    %get3A_1 = vector.load %arg2[%get3A, %get3A_0] : memref<256x1024xf32, #tpu.memory_space<vmem>>, vector<256x1024xf32>
    %iota3A = tpu.iota {dimensions = array<i32: 1>} : vector<256x128xi32>
    %lt3A = arith.constant 16 : i32
    %lt3A_2 = vector.broadcast %lt3A : i32 to vector<256x128xi32>
    %lt3A_3 = arith.cmpi slt, %iota3A, %lt3A_2 : vector<256x128xi32>
    %get3A_4 = arith.constant 0 : index
    %get3A_5 = arith.constant 0 : index
    %get3A_6 = arith.constant 0 : index
    %get3A_7 = vector.load %arg3[%get3A_4, %get3A_5, %get3A_6] : memref<2x1024x128xf32, #tpu.memory_space<vmem>>, vector<1x1024x128xf32>
    %get3A_8 = vector.shape_cast %get3A_7 : vector<1x1024x128xf32> to vector<1024x128xf32>
    %dot_general3A = arith.constant dense<0.000000e+00> : vector<256x128xf32>
    %dot_general3A_9 = tpu.matmul %get3A_1, %get3A_8, %dot_general3A {dimension_numbers = #tpu.dot_dimension_numbers<[1], [0], [0], [1], [0, 0, 1, 1], [], []>, transpose_lhs_hint = false} : vector<256x1024xf32>, vector<1024x128xf32>, vector<256x128xf32> -> vector<256x128xf32>
    %get3A_10 = arith.constant 0 : index
    %get3A_11 = arith.constant 0 : index
    %get3A_12 = arith.constant 0 : index
    %get3A_13 = vector.load %arg4[%get3A_10, %get3A_11, %get3A_12] : memref<2x1x128xf32, #tpu.memory_space<vmem>>, vector<1x1x128xf32>
    %get3A_14 = vector.shape_cast %get3A_13 : vector<1x1x128xf32> to vector<1x128xf32>
    %add3A = vector.broadcast %get3A_14 : vector<1x128xf32> to vector<256x128xf32>
    %add3A_15 = arith.addf %dot_general3A_9, %add3A : vector<256x128xf32>
    %jit3A = arith.constant -1.000000e+30 : f32
    %broadcast_in_dim3A = vector.broadcast %jit3A : f32 to vector<256x128xf32>
    %select_n3A = arith.select %lt3A_3, %add3A_15, %broadcast_in_dim3A : vector<256x128xi1>, vector<256x128xf32>
    %reduce_max3A = arith.constant dense<0xFF800000> : vector<256xf32>
    %reduce_max3A_16 = vector.multi_reduction <maximumf>, %select_n3A, %reduce_max3A [1] : vector<256x128xf32> to vector<256xf32>
    %broadcast_in_dim3A_17 = vector.shape_cast %reduce_max3A_16 : vector<256xf32> to vector<256x1xf32>
    %eq3A = vector.broadcast %broadcast_in_dim3A_17 : vector<256x1xf32> to vector<256x128xf32>
    %eq3A_18 = arith.cmpf oeq, %select_n3A, %eq3A : vector<256x128xf32>
    %and3A = arith.andi %eq3A_18, %lt3A_3 : vector<256x128xi1>
    %jit3A_19 = arith.constant 128 : i32
    %broadcast_in_dim3A_20 = vector.broadcast %jit3A_19 : i32 to vector<256x128xi32>
    %select_n3A_21 = arith.select %and3A, %iota3A, %broadcast_in_dim3A_20 : vector<256x128xi1>, vector<256x128xi32>
    %reduce_min3A = arith.constant dense<2147483647> : vector<256xi32>
    %reduce_min3A_22 = vector.multi_reduction <minsi>, %select_n3A_21, %reduce_min3A [1] : vector<256x128xi32> to vector<256xi32>
    %broadcast_in_dim3A_23 = vector.shape_cast %reduce_min3A_22 : vector<256xi32> to vector<256x1xi32>
    %convert_element_type3A = arith.sitofp %broadcast_in_dim3A_23 : vector<256x1xi32> to vector<256x1xf32>
    %sub3A = vector.broadcast %broadcast_in_dim3A_17 : vector<256x1xf32> to vector<256x128xf32>
    %sub3A_24 = arith.subf %select_n3A, %sub3A : vector<256x128xf32>
    %exp3A = math.exp %sub3A_24 : vector<256x128xf32>
    %jit3A_25 = arith.constant 0.000000e+00 : f32
    %broadcast_in_dim3A_26 = vector.broadcast %jit3A_25 : f32 to vector<256x128xf32>
    %select_n3A_27 = arith.select %lt3A_3, %exp3A, %broadcast_in_dim3A_26 : vector<256x128xi1>, vector<256x128xf32>
    %reduce_sum3A = arith.constant dense<0.000000e+00> : vector<256xf32>
    %reduce_sum3A_28 = vector.multi_reduction <add>, %select_n3A_27, %reduce_sum3A [1] : vector<256x128xf32> to vector<256xf32>
    %broadcast_in_dim3A_29 = vector.shape_cast %reduce_sum3A_28 : vector<256xf32> to vector<256x1xf32>
    %log3A = math.log %broadcast_in_dim3A_29 : vector<256x1xf32>
    %neg3A = arith.constant 0.000000e+00 : f32
    %neg3A_30 = vector.broadcast %neg3A : f32 to vector<256x1xf32>
    %neg3A_31 = arith.subf %neg3A_30, %log3A : vector<256x1xf32>
    %eq3A_32 = arith.constant 16 : i32
    %eq3A_33 = vector.broadcast %eq3A_32 : i32 to vector<256x128xi32>
    %eq3A_34 = arith.cmpi eq, %iota3A, %eq3A_33 : vector<256x128xi32>
    %jit3A_35 = arith.constant 0.000000e+00 : f32
    %broadcast_in_dim3A_36 = vector.broadcast %jit3A_35 : f32 to vector<256x128xf32>
    %select_n3A_37 = arith.select %eq3A_34, %add3A_15, %broadcast_in_dim3A_36 : vector<256x128xi1>, vector<256x128xf32>
    %reduce_sum3A_38 = arith.constant dense<0.000000e+00> : vector<256xf32>
    %reduce_sum3A_39 = vector.multi_reduction <add>, %select_n3A_37, %reduce_sum3A_38 [1] : vector<256x128xf32> to vector<256xf32>
    %broadcast_in_dim3A_40 = vector.shape_cast %reduce_sum3A_39 : vector<256xf32> to vector<256x1xf32>
    %eq3A_41 = arith.constant 0 : i32
    %eq3A_42 = vector.broadcast %eq3A_41 : i32 to vector<256x128xi32>
    %eq3A_43 = arith.cmpi eq, %iota3A, %eq3A_42 : vector<256x128xi32>
    %eq3A_44 = arith.constant 1 : i32
    %eq3A_45 = vector.broadcast %eq3A_44 : i32 to vector<256x128xi32>
    %eq3A_46 = arith.cmpi eq, %iota3A, %eq3A_45 : vector<256x128xi32>
    %eq3A_47 = arith.constant 2 : i32
    %eq3A_48 = vector.broadcast %eq3A_47 : i32 to vector<256x128xi32>
    %eq3A_49 = arith.cmpi eq, %iota3A, %eq3A_48 : vector<256x128xi32>
    %jit3A_50 = arith.constant 0.000000e+00 : f32
    %broadcast_in_dim3A_51 = vector.shape_cast %neg3A_31 : vector<256x1xf32> to vector<256x1xf32>
    %broadcast_in_dim3A_52 = vector.broadcast %broadcast_in_dim3A_51 : vector<256x1xf32> to vector<256x128xf32>
    %broadcast_in_dim3A_53 = vector.broadcast %jit3A_50 : f32 to vector<256x128xf32>
    %select_n3A_54 = arith.select %eq3A_49, %broadcast_in_dim3A_52, %broadcast_in_dim3A_53 : vector<256x128xi1>, vector<256x128xf32>
    %broadcast_in_dim3A_55 = vector.shape_cast %convert_element_type3A : vector<256x1xf32> to vector<256x1xf32>
    %broadcast_in_dim3A_56 = vector.broadcast %broadcast_in_dim3A_55 : vector<256x1xf32> to vector<256x128xf32>
    %select_n3A_57 = arith.select %eq3A_46, %broadcast_in_dim3A_56, %select_n3A_54 : vector<256x128xi1>, vector<256x128xf32>
    %broadcast_in_dim3A_58 = vector.shape_cast %broadcast_in_dim3A_40 : vector<256x1xf32> to vector<256x1xf32>
    %broadcast_in_dim3A_59 = vector.broadcast %broadcast_in_dim3A_58 : vector<256x1xf32> to vector<256x128xf32>
    %select_n3A_60 = arith.select %eq3A_43, %broadcast_in_dim3A_59, %select_n3A_57 : vector<256x128xi1>, vector<256x128xf32>
    %get3A_61 = arith.constant 0 : index
    %get3A_62 = arith.constant 0 : index
    %get3A_63 = vector.load %arg1[%get3A_61, %get3A_62] : memref<256x1xf32, #tpu.memory_space<vmem>>, vector<256x1xf32>
    %eq3A_64 = arith.constant 0.000000e+00 : f32
    %eq3A_65 = vector.broadcast %eq3A_64 : f32 to vector<256x1xf32>
    %eq3A_66 = arith.cmpf oeq, %get3A_63, %eq3A_65 : vector<256x1xf32>
    %jit3A_67 = arith.constant 0.000000e+00 : f32
    %broadcast_in_dim3A_68 = vector.shape_cast %eq3A_66 : vector<256x1xi1> to vector<256x1xi1>
    %broadcast_in_dim3A_69 = vector.broadcast %broadcast_in_dim3A_68 : vector<256x1xi1> to vector<256x128xi1>
    %broadcast_in_dim3A_70 = vector.broadcast %jit3A_67 : f32 to vector<256x128xf32>
    %select_n3A_71 = arith.select %broadcast_in_dim3A_69, %select_n3A_60, %broadcast_in_dim3A_70 : vector<256x128xi1>, vector<256x128xf32>
    %swap3A = arith.constant 0 : index
    %swap3A_72 = arith.constant 0 : index
    %swap3A_73 = vector.load %arg5[%swap3A, %swap3A_72] : memref<256x128xf32, #tpu.memory_space<vmem>>, vector<256x128xf32>
    tpu.vector_store %arg5[%swap3A, %swap3A_72], %select_n3A_71 {strides = array<i32>} : memref<256x128xf32, #tpu.memory_space<vmem>>, vector<256x128xf32>,
    %get3A_74 = arith.constant 1 : index
    %get3A_75 = arith.constant 0 : index
    %get3A_76 = arith.constant 0 : index
    %get3A_77 = vector.load %arg3[%get3A_74, %get3A_75, %get3A_76] : memref<2x1024x128xf32, #tpu.memory_space<vmem>>, vector<1x1024x128xf32>
    %get3A_78 = vector.shape_cast %get3A_77 : vector<1x1024x128xf32> to vector<1024x128xf32>
    %dot_general3A_79 = arith.constant dense<0.000000e+00> : vector<256x128xf32>
    %dot_general3A_80 = tpu.matmul %get3A_1, %get3A_78, %dot_general3A_79 {dimension_numbers = #tpu.dot_dimension_numbers<[1], [0], [0], [1], [0, 0, 1, 1], [], []>, transpose_lhs_hint = false} : vector<256x1024xf32>, vector<1024x128xf32>, vector<256x128xf32> -> vector<256x128xf32>
    %get3A_81 = arith.constant 1 : index
    %get3A_82 = arith.constant 0 : index
    %get3A_83 = arith.constant 0 : index
    %get3A_84 = vector.load %arg4[%get3A_81, %get3A_82, %get3A_83] : memref<2x1x128xf32, #tpu.memory_space<vmem>>, vector<1x1x128xf32>
    %get3A_85 = vector.shape_cast %get3A_84 : vector<1x1x128xf32> to vector<1x128xf32>
    %add3A_86 = vector.broadcast %get3A_85 : vector<1x128xf32> to vector<256x128xf32>
    %add3A_87 = arith.addf %dot_general3A_80, %add3A_86 : vector<256x128xf32>
    %jit3A_88 = arith.constant -1.000000e+30 : f32
    %broadcast_in_dim3A_89 = vector.broadcast %jit3A_88 : f32 to vector<256x128xf32>
    %select_n3A_90 = arith.select %lt3A_3, %add3A_87, %broadcast_in_dim3A_89 : vector<256x128xi1>, vector<256x128xf32>
    %reduce_max3A_91 = arith.constant dense<0xFF800000> : vector<256xf32>
    %reduce_max3A_92 = vector.multi_reduction <maximumf>, %select_n3A_90, %reduce_max3A_91 [1] : vector<256x128xf32> to vector<256xf32>
    %broadcast_in_dim3A_93 = vector.shape_cast %reduce_max3A_92 : vector<256xf32> to vector<256x1xf32>
    %eq3A_94 = vector.broadcast %broadcast_in_dim3A_93 : vector<256x1xf32> to vector<256x128xf32>
    %eq3A_95 = arith.cmpf oeq, %select_n3A_90, %eq3A_94 : vector<256x128xf32>
    %and3A_96 = arith.andi %eq3A_95, %lt3A_3 : vector<256x128xi1>
    %jit3A_97 = arith.constant 128 : i32
    %broadcast_in_dim3A_98 = vector.broadcast %jit3A_97 : i32 to vector<256x128xi32>
    %select_n3A_99 = arith.select %and3A_96, %iota3A, %broadcast_in_dim3A_98 : vector<256x128xi1>, vector<256x128xi32>
    %reduce_min3A_100 = arith.constant dense<2147483647> : vector<256xi32>
    %reduce_min3A_101 = vector.multi_reduction <minsi>, %select_n3A_99, %reduce_min3A_100 [1] : vector<256x128xi32> to vector<256xi32>
    %broadcast_in_dim3A_102 = vector.shape_cast %reduce_min3A_101 : vector<256xi32> to vector<256x1xi32>
    %convert_element_type3A_103 = arith.sitofp %broadcast_in_dim3A_102 : vector<256x1xi32> to vector<256x1xf32>
    %sub3A_104 = vector.broadcast %broadcast_in_dim3A_93 : vector<256x1xf32> to vector<256x128xf32>
    %sub3A_105 = arith.subf %select_n3A_90, %sub3A_104 : vector<256x128xf32>
    %exp3A_106 = math.exp %sub3A_105 : vector<256x128xf32>
    %jit3A_107 = arith.constant 0.000000e+00 : f32
    %broadcast_in_dim3A_108 = vector.broadcast %jit3A_107 : f32 to vector<256x128xf32>
    %select_n3A_109 = arith.select %lt3A_3, %exp3A_106, %broadcast_in_dim3A_108 : vector<256x128xi1>, vector<256x128xf32>
    %reduce_sum3A_110 = arith.constant dense<0.000000e+00> : vector<256xf32>
    %reduce_sum3A_111 = vector.multi_reduction <add>, %select_n3A_109, %reduce_sum3A_110 [1] : vector<256x128xf32> to vector<256xf32>
    %broadcast_in_dim3A_112 = vector.shape_cast %reduce_sum3A_111 : vector<256xf32> to vector<256x1xf32>
    %log3A_113 = math.log %broadcast_in_dim3A_112 : vector<256x1xf32>
    %neg3A_114 = arith.constant 0.000000e+00 : f32
    %neg3A_115 = vector.broadcast %neg3A_114 : f32 to vector<256x1xf32>
    %neg3A_116 = arith.subf %neg3A_115, %log3A_113 : vector<256x1xf32>
    %eq3A_117 = arith.constant 16 : i32
    %eq3A_118 = vector.broadcast %eq3A_117 : i32 to vector<256x128xi32>
    %eq3A_119 = arith.cmpi eq, %iota3A, %eq3A_118 : vector<256x128xi32>
    %jit3A_120 = arith.constant 0.000000e+00 : f32
    %broadcast_in_dim3A_121 = vector.broadcast %jit3A_120 : f32 to vector<256x128xf32>
    %select_n3A_122 = arith.select %eq3A_119, %add3A_87, %broadcast_in_dim3A_121 : vector<256x128xi1>, vector<256x128xf32>
    %reduce_sum3A_123 = arith.constant dense<0.000000e+00> : vector<256xf32>
    %reduce_sum3A_124 = vector.multi_reduction <add>, %select_n3A_122, %reduce_sum3A_123 [1] : vector<256x128xf32> to vector<256xf32>
    %broadcast_in_dim3A_125 = vector.shape_cast %reduce_sum3A_124 : vector<256xf32> to vector<256x1xf32>
    %eq3A_126 = arith.constant 0 : i32
    %eq3A_127 = vector.broadcast %eq3A_126 : i32 to vector<256x128xi32>
    %eq3A_128 = arith.cmpi eq, %iota3A, %eq3A_127 : vector<256x128xi32>
    %eq3A_129 = arith.constant 1 : i32
    %eq3A_130 = vector.broadcast %eq3A_129 : i32 to vector<256x128xi32>
    %eq3A_131 = arith.cmpi eq, %iota3A, %eq3A_130 : vector<256x128xi32>
    %eq3A_132 = arith.constant 2 : i32
    %eq3A_133 = vector.broadcast %eq3A_132 : i32 to vector<256x128xi32>
    %eq3A_134 = arith.cmpi eq, %iota3A, %eq3A_133 : vector<256x128xi32>
    %jit3A_135 = arith.constant 0.000000e+00 : f32
    %broadcast_in_dim3A_136 = vector.shape_cast %neg3A_116 : vector<256x1xf32> to vector<256x1xf32>
    %broadcast_in_dim3A_137 = vector.broadcast %broadcast_in_dim3A_136 : vector<256x1xf32> to vector<256x128xf32>
    %broadcast_in_dim3A_138 = vector.broadcast %jit3A_135 : f32 to vector<256x128xf32>
    %select_n3A_139 = arith.select %eq3A_134, %broadcast_in_dim3A_137, %broadcast_in_dim3A_138 : vector<256x128xi1>, vector<256x128xf32>
    %broadcast_in_dim3A_140 = vector.shape_cast %convert_element_type3A_103 : vector<256x1xf32> to vector<256x1xf32>
    %broadcast_in_dim3A_141 = vector.broadcast %broadcast_in_dim3A_140 : vector<256x1xf32> to vector<256x128xf32>
    %select_n3A_142 = arith.select %eq3A_131, %broadcast_in_dim3A_141, %select_n3A_139 : vector<256x128xi1>, vector<256x128xf32>
    %broadcast_in_dim3A_143 = vector.shape_cast %broadcast_in_dim3A_125 : vector<256x1xf32> to vector<256x1xf32>
    %broadcast_in_dim3A_144 = vector.broadcast %broadcast_in_dim3A_143 : vector<256x1xf32> to vector<256x128xf32>
    %select_n3A_145 = arith.select %eq3A_128, %broadcast_in_dim3A_144, %select_n3A_142 : vector<256x128xi1>, vector<256x128xf32>
    %get3A_146 = arith.constant 0 : index
    %get3A_147 = arith.constant 0 : index
    %get3A_148 = vector.load %arg1[%get3A_146, %get3A_147] : memref<256x1xf32, #tpu.memory_space<vmem>>, vector<256x1xf32>
    %eq3A_149 = arith.constant 1.000000e+00 : f32
    %eq3A_150 = vector.broadcast %eq3A_149 : f32 to vector<256x1xf32>
    %eq3A_151 = arith.cmpf oeq, %get3A_148, %eq3A_150 : vector<256x1xf32>
    %get3A_152 = arith.constant 0 : index
    %get3A_153 = arith.constant 0 : index
    %get3A_154 = vector.load %arg5[%get3A_152, %get3A_153] : memref<256x128xf32, #tpu.memory_space<vmem>>, vector<256x128xf32>
    %broadcast_in_dim3A_155 = vector.shape_cast %eq3A_151 : vector<256x1xi1> to vector<256x1xi1>
    %broadcast_in_dim3A_156 = vector.broadcast %broadcast_in_dim3A_155 : vector<256x1xi1> to vector<256x128xi1>
    %select_n3A_157 = arith.select %broadcast_in_dim3A_156, %select_n3A_145, %get3A_154 : vector<256x128xi1>, vector<256x128xf32>
    %swap3A_158 = arith.constant 0 : index
    %swap3A_159 = arith.constant 0 : index
    %swap3A_160 = vector.load %arg5[%swap3A_158, %swap3A_159] : memref<256x128xf32, #tpu.memory_space<vmem>>, vector<256x128xf32>
    tpu.vector_store %arg5[%swap3A_158, %swap3A_159], %select_n3A_157 {strides = array<i32>} : memref<256x128xf32, #tpu.memory_space<vmem>>, vector<256x128xf32>,
    return
  }
  func.func @transform_0(%arg0: i32) -> (i32, i32) {
    %c0_i32 = arith.constant 0 : i32
    %c0_i32_0 = arith.constant 0 : i32
    return %arg0, %c0_i32 : i32, i32
  }
  func.func @transform_1(%arg0: i32) -> (i32, i32) {
    %c0_i32 = arith.constant 0 : i32
    %c0_i32_0 = arith.constant 0 : i32
    return %arg0, %c0_i32 : i32, i32
  }
  func.func @transform_2(%arg0: i32) -> (i32, i32, i32) {
    %c0_i32 = arith.constant 0 : i32
    %c0_i32_0 = arith.constant 0 : i32
    %c0_i32_1 = arith.constant 0 : i32
    %c0_i32_2 = arith.constant 0 : i32
    return %c0_i32, %c0_i32_0, %c0_i32_1 : i32, i32, i32
  }
  func.func @transform_3(%arg0: i32) -> (i32, i32, i32) {
    %c0_i32 = arith.constant 0 : i32
    %c0_i32_0 = arith.constant 0 : i32
    %c0_i32_1 = arith.constant 0 : i32
    %c0_i32_2 = arith.constant 0 : i32
    return %c0_i32, %c0_i32_0, %c0_i32_1 : i32, i32, i32
  }
  func.func @transform_4(%arg0: i32) -> (i32, i32) {
    %c0_i32 = arith.constant 0 : i32
    %c0_i32_0 = arith.constant 0 : i32
    return %arg0, %c0_i32 : i32, i32
  }
}

</mosaic_0001>

<sc_bundles>
// kernel: kernel.10.cloned.1.call-start
scs
__scs_entry_jumppad:
0x0: {  	(pc) =	sbr.rel $0x88, $3  }
0x1: {  	(tag) =	ssettag $0x0;
	lr =	simm.s32 $0x1  }
0x2: {  	[smem:$0x3F96] =	sst lr;
	_ =	strace $0xD0000000  }
0x3: {  	_ = 	snop  }
0x4: {  	_ = 	snop  }
0x5: {  	_ = 	snop  }
0x6: {  	_ = 	snop  }
0x7: {  	_ = 	snop  }
__scs_overlays_trampoline_lowered:
0x8: {  	[smem:$0x3FA5] =	sst s0  }
0x9: {  	[smem:$0x3FA6] =	sst s1  }
0xa: {  	[smem:$0x3FA7] =	sst s2  }
0xb: {  	[smem:$0x3FA8] =	sst s3  }
0xc: {  	[smem:$0x3FA9] =	sst s4  }
0xd: {  	[smem:$0x3FAA] =	sst s5  }
0xe: {  	[smem:$0x3FAB] =	sst s6  }
0xf: {  	[smem:$0x3FAC] =	sst s7  }
0x10: {  	[smem:$0x3FAD] =	sst s8  }
0x11: {  	[smem:$0x3FAE] =	sst s9;
	s0 =	simm.s32 @!p0 $0x0  }
0x12: {  	s1 =	sld [smem:$0x3F94];
	s0 =	simm.s32 @p0 $0x1  }
0x13: {  	[smem:$0x3FAF] =	sst s0;
	s0 =	simm.s32 @!p1 $0x0  }
0x14: {  	s2 =	sld [smem:$0x3F93];
	s0 =	simm.s32 @p1 $0x1  }
0x15: {  	[smem:$0x3FB0] =	sst s0;
	s0 =	simm.s32 @!p2 $0x0  }
0x16: {  	s3 =	sld [smem:$0x3FDB];
	s0 =	simm.s32 @p2 $0x1  }
0x17: {  	s4 =	simm.s32 $0x1BF5;
	[smem:$0x3FB2] =	sst s0  }
0x18: {  	s0 =	sld [smem:$0x3F95];
	_ =	swait.ge [sflag:s4], $0x0  }
0x19: {  	s7 =	sld [smem:$0x3F96]  }
0x1a: {  	s8 =	sadd.s32 $0xFFFFE003, lr  }
0x1b: {  	s9 =	sadd.s32 $0xFFFFFEF7, lr;
	s5 =	simm.s32 $0xFFFFFFFF;
	p2 =	slt.u32 s8, $0xFFFFF086  }
0x1c: {  	p1 =	slt.u32 s9, $0xF7A;
	s5 =	simm.s32 @!p2 $0x0  }
0x1d: {  	s5 =	simm.s32 @p1 $0x1;
	p0 =	seq.s32 s7, s2  }
0x1e: {  	s7 =	smul.u32 @!p0 $0xF7A, s2;
	p2 =	seq.s32 @!p0 s5, $0x0  }
0x1f: {  	s9 =	smul.u32 $0xF7A, s1;
	s8 =	simm.s32 @!p0 $0x1BF5;
	p2 =	por !p2, p0  }
0x20: {  	[sflag:s8] =	ssyncset.s32 @!p0 $0xFFFFF086;
	s6 =	sadd.s32 @!p0 s3, s7;
	s7 =	simm.s32 @!p0 $0x108  }
0x21: {  	s3 =	sadd.s32 s3, s9;
	s6 =	sadd.s32 @!p0 $0x88, s6;
	s7 =	simm.s32 @p2 $0x1082  }
0x22: {  	[simem:s7], [sflag:s8] =	dma.local @!p0 [hbm:s6], $0xF7A  }
0x23: {  	s9 =	sor.u32 $0xD0000000, s2;
	s6 =	simm.s32 $0x108;
	_ =	swait.ge @!p0 [sflag:s8], $0x0  }
0x24: {  	s3 =	sadd.s32 $0x88, s3;
	s6 =	simm.s32 @!p1 $0x1082;
	[sflag:s4] =	ssyncset.s32 $0xFFFFF086  }
0x25: {  	[simem:s6], [sflag:s4] =	dma.local [hbm:s3], $0xF7A  }
0x26: {  	[smem:$0x3F96] =	sst s1;
	(tag) =	ssettag s2;
	_ =	strace s9  }
0x27: {  	s1 =	sld [smem:$0x3FA6]  }
0x28: {  	s2 =	sld [smem:$0x3FA7]  }
0x29: {  	s4 =	sld [smem:$0x3FA9]  }
0x2a: {  	p0 =	seq.s32 s5, $0x0;
	s5 =	sld [smem:$0x3FAA]  }
0x2b: {  	s6 =	sld [smem:$0x3FAB]  }
0x2c: {  	s7 =	sld [smem:$0x3FAC]  }
0x2d: {  	s3 =	simm.s32 $0x108;
	s8 =	sld [smem:$0x3FAD]  }
0x2e: {  	s3 =	simm.s32 @!p0 $0x1082;
	s9 =	sld [smem:$0x3FAE]  }
0x2f: {  	lr =	sadd.s32 s0, s3;
	s0 =	sld [smem:$0x3FA5]  }
0x30: {  	s3 =	sld [smem:$0x3FA8]  }
0x31: {  	[smem:$0x3FB1] =	sst s10  }
0x32: {  	s10 =	sld [smem:$0x3FAF];
	_ =	sdelay $0x3  }
0x33: {  	p0 =	seq.s32 s10, $0x1;
	s10 =	sld [smem:$0x3FB1];
	_ =	sdelay $0x3  }
0x34: {  	[smem:$0x3FB1] =	sst s10  }
0x35: {  	s10 =	sld [smem:$0x3FB0];
	_ =	sdelay $0x3  }
0x36: {  	p1 =	seq.s32 s10, $0x1;
	s10 =	sld [smem:$0x3FB1];
	_ =	sdelay $0x3  }
0x37: {  	[smem:$0x3FB1] =	sst s10  }
0x38: {  	s10 =	sld [smem:$0x3FB2]  }
0x39: {  	_ = 	snop;
	(pc) =	sbr.ind lr, $3  }
0x3a: {  	_ = 	snop  }
0x3b: {  	_ = 	snop  }
0x3c: {  	p2 =	seq.s32 s10, $0x1;
	s10 =	sld [smem:$0x3FB1]  }
0x3d: {  	_ =	shalt  }
0x3e: {  	_ =	shalt  }
0x3f: {  	_ =	shalt  }
0x40: {  	_ =	shalt  }
0x41: {  	_ =	shalt  }
0x42: {  	_ =	shalt  }
0x43: {  	_ =	shalt  }
0x44: {  	_ =	shalt  }
0x45: {  	_ =	shalt  }
0x46: {  	_ =	shalt  }
0x47: {  	_ =	shalt  }
0x48: {  	_ =	shalt  }
0x49: {  	_ =	shalt  }
0x4a: {  	_ =	shalt  }
0x4b: {  	_ =	shalt  }
0x4c: {  	_ =	shalt  }
0x4d: {  	_ =	shalt  }
0x4e: {  	_ =	shalt  }
0x4f: {  	_ =	shalt  }
0x50: {  	_ =	shalt  }
0x51: {  	_ =	shalt  }
0x52: {  	_ =	shalt  }
0x53: {  	_ =	shalt  }
0x54: {  	_ =	shalt  }
0x55: {  	_ =	shalt  }
0x56: {  	_ =	shalt  }
0x57: {  	_ =	shalt  }
0x58: {  	_ =	shalt  }
0x59: {  	_ =	shalt  }
0x5a: {  	_ =	shalt  }
0x5b: {  	_ =	shalt  }
0x5c: {  	_ =	shalt  }
0x5d: {  	_ =	shalt  }
0x5e: {  	_ =	shalt  }
0x5f: {  	_ =	shalt  }
0x60: {  	_ =	shalt  }
0x61: {  	_ =	shalt  }
0x62: {  	_ =	shalt  }
0x63: {  	_ =	shalt  }
0x64: {  	_ =	shalt  }
0x65: {  	_ =	shalt  }
0x66: {  	_ =	shalt  }
0x67: {  	_ =	shalt  }
0x68: {  	_ =	shalt  }
0x69: {  	_ =	shalt  }
0x6a: {  	_ =	shalt  }
0x6b: {  	_ =	shalt  }
0x6c: {  	_ =	shalt  }
0x6d: {  	_ =	shalt  }
0x6e: {  	_ =	shalt  }
0x6f: {  	_ =	shalt  }
0x70: {  	_ =	shalt  }
0x71: {  	_ =	shalt  }
0x72: {  	_ =	shalt  }
0x73: {  	_ =	shalt  }
0x74: {  	_ =	shalt  }
0x75: {  	_ =	shalt  }
0x76: {  	_ =	shalt  }
0x77: {  	_ =	shalt  }
0x78: {  	_ =	shalt  }
0x79: {  	_ =	shalt  }
0x7a: {  	_ =	shalt  }
0x7b: {  	_ =	shalt  }
0x7c: {  	_ =	shalt  }
0x7d: {  	_ =	shalt  }
0x7e: {  	_ =	shalt  }
0x7f: {  	_ =	shalt  }
0x80: {  	_ =	shalt  }
0x81: {  	_ =	shalt  }
0x82: {  	_ =	shalt  }
0x83: {  	_ =	shalt  }
0x84: {  	_ =	shalt  }
0x85: {  	_ =	shalt  }
0x86: {  	_ =	shalt  }
0x87: {  	_ =	shalt  }
.Lfunc_end0:
.L_simem_size_0:
called_computation.1_lowered:
.L_overlay_start_0:
0x88: {  	s2 =	sld [smem:$0x3FD9]  }
0x89: {  	s3 =	sld [smem:$0x3FFE];
	_ =	sdelay $0x1  }
0x8a: {  	s1 =	srdreg.scid  }
0x8b: {  	s0 =	sand.u32 $0x1, s1  }
0x8c: {  	s14 =	sshll.u32 s0, $0xA;
	s2 =	sadd.s32 s3, s2  }
0x8d: {  	s2 =	sadd.s32 s2, s14  }
0x8e: {  	[smem:$0x3FBD] =	sst s2  }
0x8f: {  	_ = 	snop  }
0x90: {  	s2 =	sld [smem:$0x3FD0];
	_ =	sdelay $0x2  }
0x91: {  	s15 =	simm.s32 $0xA;
	s4 =	simm.s32 $0x10  }
0x92: {  	[smem:s4], [sflag:s15] =	dma.local [hbm:s2], $0x1  }
0x93: {  	_ =	swait.eq [sflag:s15], $0x1  }
0x94: {  	[sflag:s15] =	ssyncset.done $0x0  }
0x95: {  	s16 =	sld [smem:$0x12];
	[sflag:s15] =	ssyncadd.s32 $0xFFFFFFFF  }
0x96: {  	s17 =	sld [smem:$0x13];
	(tm) =	ssettm $0x1  }
0x97: {  	s18 =	sld [smem:$0x3FFB];
	_ =	sdelay $0x3  }
0x98: {  	_ =	strace s18  }
0x99: {  	s4 =	sld [smem:$0x3FFC];
	_ =	sdelay $0x3  }
0x9a: {  	_ =	strace s4  }
0x9b: {  	s4 =	sld [smem:$0x3FFD];
	_ =	sdelay $0x3  }
0x9c: {  	_ =	strace s4  }
0x9d: {  	_ =	strace $0x8FFFFFFF  }
0x9e: {  	s19 =	sld [smem:$0x3FDB];
	_ =	sdelay $0x1  }
0x9f: {  	s5 =	simm.s32 $_scs_section_size  }
0xa0: {  	s6 =	simm.s32 $_size__tile_overlayer_lowered;
	s7 =	simm.s32 $_tile_overlayer_lowered  }
0xa1: {  	s22 =	simm.s32 $0x1BFF;
	s21 =	sshll.u32 s7, $0x1;
	s4 =	sadd.s32 s5, s19  }
0xa2: {  	s8 =	simm.s32 $0x0;
	s20 =	sshll.u32 s6, $0x1;
	s6 =	sadd.s32 s21, s4  }
0xa3: {  	[timem:s8], [sflag:s22] =	dma.local [hbm:s6], s20  }
0xa4: {  	_ =	swait.ge [sflag:s22], s20  }
0xa5: {  	s5 =	ssub.s32 $0x0, s20;
	[sflag:s22] =	ssyncset.done $0x0  }
0xa6: {  	[sflag:s22] =	ssyncadd.s32 s5;
	_ =	sdelay $0x1  }
0xa7: {  	s23 =	simm.s32 $0x1B8B  }
0xa8: {  	_ =	swait.ge [sflag:s23], $0x1  }
0xa9: {  	[sflag:s23] =	ssyncset.done $0x0  }
0xaa: {  	s25 =	simm.s32 $0x1B8E;
	s24 =	sld [smem:$0x3FFE];
	[sflag:s23] =	ssyncadd.s32 $0xFFFFFFFF  }
0xab: {  	s26 =	simm.s32 $execute0_lowered;
	[smem:$0x3FD2] =	sst s25  }
0xac: {  	s6 =	sshll.u32 s26, $0x1;
	_ =	strace $0x80000049;
	[dreg:$0x1] =	wrdreg $0xFFFFFFFF  }
0xad: {  	s28 =	simm.s32 $_size_execute0_lowered;
	s4 =	sadd.s32 s4, s6;
	[dreg:$0x0] =	wrdreg $0x0  }
0xae: {  	s6 =	sshll.u32 s28, $0x1;
	[dreg:$0x2] =	wrdreg s4  }
0xaf: {  	[dreg:$0x3] =	wrdreg s6  }
0xb0: {  	[dreg:$0x4] =	wrdreg $0xC0  }
0xb1: {  	_ =	task [dreg:s8], $0x5FFFF  }
0xb2: {  	[dreg:$0x1] =	wrdreg $0xFFFFFFFF  }
0xb3: {  	[dreg:$0x0] =	wrdreg $0x60  }
0xb4: {  	[dreg:$0x2] =	wrdreg s16  }
0xb5: {  	[dreg:$0x3] =	wrdreg s24  }
0xb6: {  	[dreg:$0x4] =	wrdreg s17  }
0xb7: {  	[dreg:$0x5] =	wrdreg $0x9  }
0xb8: {  	_ =	task.clear_ibuf [dreg:s8], $0x6FFFF;
	_ =	strace $0x90000049  }
0xb9: {  	s29 =	simm.s32 $0x9;
	_ =	strace $0x8000004B  }
0xba: {  	_ =	swait.ge [sflag:s29], $0x1  }
0xbb: {  	[sflag:s29] =	ssyncadd.s32 $0xFFFFFFFF  }
0xbc: {  	_ =	strace $0x9000004B  }
0xbd: {  	_ =	sfence  }
0xbe: {  	s30 =	sld [smem:$0x0];
	_ =	sdelay $0x2  }
0xbf: {  	s31 =	sshll.u32 s1, $0xD;
	s1 =	sshrl.u32 s1, $0x2  }
0xc0: {  	s3 =	sand.u32 $0x4000, s31;
	s1 =	sadd.s32 s1, s30  }
0xc1: {  	s0 =	sor.u32 s3, s0;
	s1 =	sshll.u32 s1, $0x11  }
0xc2: {  	s0 =	sor.u32 s1, s0  }
0xc3: {  	s0 =	sadd.s32 $0x8F2B, s0  }
0xc4: {  	[sflag:s0] =	ssyncadd.remote.s32 $0x1  }
0xc5: {  	_ =	sfence.sel $0xFFFF  }
0xc6: {  	[dreg:$0x0] =	wrdreg $0xFFFFFFFF;
	(pc) =	sbr.abs _section_cstart, $3  }
0xc7: {  	[dreg:$0x1] =	wrdreg $0xFFFFFFFF  }
0xc8: {  	_ =	task.clear_ibuf [dreg:s8], $0x2FFFF;
	_ =	strace $0x9FFFFFFF  }
0xc9: {  	(tm) =	ssettm $0x7FFFFFFF  }
tec
execute0_lowered:
.L_overlay_start_1:
0x0: {  	(tag) =	ssettag $0x1  }
0x1: {  	s1 =	rddreg [dreg:$0x0]  }
0x2: {  	s2 =	srdreg.scid;
	s6 =	rddreg [dreg:$0x1]  }
0x3: {  	s0 =	stileid.u32;
	s3 =	rddreg [dreg:$0x2];
	s15 =	simm.s32 $0x880  }
0x4: {  	s16 =	simm.s32 $0x1080;
	s17 =	simm.s32 $0x1880;
	s19 =	simm.s32 $0x2080  }
0x5: {  	s21 =	simm.s32 $0x2880;
	s4 =	sand.u32 $0x1, s2;
	s2 =	simm.s32 $0x0  }
0x6: {  	s22 =	simm.s32 $0x3080;
	s23 =	simm.s32 $0x3880;
	[smem:$0x7FF] =	sst s2  }
0x7: {  	s24 =	simm.s32 $0x4080;
	_ =	strace $0x8000004A;
	[dreg:$0x6] =	wrdreg s15  }
0x8: {  	s25 =	simm.s32 $0x4880;
	s8 =	simm.s32 $0x2;
	[dreg:$0x7] =	wrdreg s16  }
0x9: {  	s26 =	simm.s32 $0x5080;
	s9 =	simm.s32 $0x80;
	[dreg:$0x8] =	wrdreg s17  }
0xa: {  	s11 =	simm.s32 $0x6080;
	s12 =	simm.s32 $0x6880;
	[dreg:$0x9] =	wrdreg s19  }
0xb: {  	s13 =	simm.s32 $0x7080;
	s28 =	simm.s32 $0xE080;
	[dreg:$0xa] =	wrdreg s21  }
0xc: {  	s29 =	simm.s32 $0xE880;
	s30 =	simm.s32 $0xF080;
	[dreg:$0xb] =	wrdreg s22  }
0xd: {  	s31 =	simm.s32 $0xF880;
	s5 =	sshll.u32 s0, $0x7;
	[dreg:$0xc] =	wrdreg s23  }
0xe: {  	s7 =	sshll.u32 s4, $0x6;
	s4 =	ssub.s32 $0x2, s4;
	[dreg:$0xd] =	wrdreg s24  }
0xf: {  	s5 =	sor.u32 s7, s5;
	s18 =	sshrl.u32 s4, $0x1;
	[dreg:$0xe] =	wrdreg s25  }
0x10: {  	[dreg:$0xf] =	wrdreg s26;
	s15 =	simm.s32 $0x8080;
	s16 =	simm.s32 $0x8880  }
0x11: {  	s17 =	simm.s32 $0x9080;
	s19 =	simm.s32 $0xA080;
	s21 =	simm.s32 $0xB080  }
0x12: {  	s22 =	simm.s32 $0xB880;
	s23 =	simm.s32 $0xC080;
	s24 =	simm.s32 $0xC880  }
0x13: {  	s25 =	simm.s32 $0xD080;
	s26 =	simm.s32 $0xD880;
	s7 =	sshrl.u32 s5, $0x3  }
0x14: {  	s5 =	sshll.u32 s5, $0x7;
	s20 =	ssub.s32 s4, s18;
	s4 =	sadd.s32 $0x93100, s6  }
0x15: {  	s18 =	simm.s32 $0x9880;
	s1 =	sadd.s32 s1, s7;
	s14 =	sadd.s32 s3, s5  }
0x16: {  	v2 =	vlaneseq.u32;
	s3 =	sadd.s32 $0x93000, s6;
	s5 =	sadd.s32 $0x93200, s6;
	s6 =	sadd.s32 $0x93300, s6  }
0x17: {  	vm0 =	vmmov $0xffff;
	v1 =	vshrl.u32 v2, $0x3;
	s7 =	smax.u32 s20, $0x1;
	s20 =	simm.s32 $0xA880;
	[dreg:$0x4] =	wrdreg s1  }
0x18: {  	v0 =	vand.u32 $0x7, v2;
	v2 =	vor.u32 $0x8, v2;
	v1 =	vmul.u32 $0x8, v1;
	[dreg:$0x5] =	wrdreg s14;
	s14 =	simm.s32 $0x7880;
	s1 =	simm.s32 $0x1  }
.LBB2_1:
0x19: {  	s0 =	rddreg [dreg:$0x4]  }
0x1a: {  	[tilespmem:s2], [sflag:$0x2] =	stream.linear.gather [hbm4b:s0+s2], $0x40, $0x38;
	[tilespmem:$0x10080] =	vst v63  }
0x1b: {  	_ =	swait.ge [sflag:s8], $0x40  }
0x1c: {  	[sflag:s8] =	ssyncset.done $0x0  }
0x1d: {  	[sflag:s8] =	ssyncadd.s32 $0xFFFFFFC0  }
0x1e: {  	v3 =	vld [tilespmem:$0x0];
	_ =	sdelay $0x4  }
0x1f: {  	v4 =	vshll.u32 v3, $0x3  }
0x20: {  	v3 =	vand.u32 $0x7, v3;
	v4 =	vand.u32 $0xFFFFFFC0, v4  }
0x21: {  	v3 =	vor.u32 v3, v4  }
0x22: {  	v4 =	vperm.xlane v3, v0;
	_ =	sdelay $0x1  }
0x23: {  	v4 =	vadd.s32 v1, v4;
	_ =	sdelay $0x4  }
0x24: {  	[tilespmem:s9], [sflag:$0x1] =	stream.indirect_vreg.gather [hbm4b:s3+s2], $0x80, v4, vm0, $0xb8;
	[tilespmem:$0x10080] =	vst v63  }
0x25: {  	s0 =	rddreg [dreg:$0x6];
	v3 =	vperm.xlane v3, v2  }
0x26: {  	[tilespmem:s0], [sflag:$0x1] =	stream.indirect_vreg.gather [hbm4b:s4+s2], $0x80, v4, vm0, $0xb8;
	[tilespmem:$0x10080] =	vst v63  }
0x27: {  	s10 =	rddreg [dreg:$0x7];
	v3 =	vadd.s32 v1, v3  }
0x28: {  	[tilespmem:s10], [sflag:$0x1] =	stream.indirect_vreg.gather [hbm4b:s5+s2], $0x80, v4, vm0, $0xb8;
	[tilespmem:$0x10080] =	vst v63  }
0x29: {  	s0 =	rddreg [dreg:$0x8]  }
0x2a: {  	[tilespmem:s0], [sflag:$0x1] =	stream.indirect_vreg.gather [hbm4b:s6+s2], $0x80, v4, vm0, $0xb8;
	[tilespmem:$0x10080] =	vst v63  }
0x2b: {  	s10 =	rddreg [dreg:$0x9]  }
0x2c: {  	[tilespmem:s10], [sflag:$0x1] =	stream.indirect_vreg.gather [hbm4b:s3+s2], $0x80, v3, vm0, $0xb8;
	[tilespmem:$0x10080] =	vst v63  }
0x2d: {  	s0 =	rddreg [dreg:$0xa]  }
0x2e: {  	[tilespmem:s0], [sflag:$0x1] =	stream.indirect_vreg.gather [hbm4b:s4+s2], $0x80, v3, vm0, $0xb8;
	[tilespmem:$0x10080] =	vst v63  }
0x2f: {  	s10 =	rddreg [dreg:$0xb]  }
0x30: {  	[tilespmem:s10], [sflag:$0x1] =	stream.indirect_vreg.gather [hbm4b:s5+s2], $0x80, v3, vm0, $0xb8;
	[tilespmem:$0x10080] =	vst v63  }
0x31: {  	s0 =	rddreg [dreg:$0xc]  }
0x32: {  	[tilespmem:s0], [sflag:$0x1] =	stream.indirect_vreg.gather [hbm4b:s6+s2], $0x80, v3, vm0, $0xb8;
	[tilespmem:$0x10080] =	vst v63  }
0x33: {  	v3 =	vld [tilespmem:$0x10];
	_ =	sdelay $0x4  }
0x34: {  	v61 =	vshll.u32 v3, $0x3  }
0x35: {  	v3 =	vand.u32 $0x7, v3;
	v4 =	vand.u32 $0xFFFFFFC0, v61  }
0x36: {  	v3 =	vor.u32 v3, v4  }
0x37: {  	v4 =	vperm.xlane v3, v0;
	_ =	sdelay $0x1  }
0x38: {  	v4 =	vadd.s32 v1, v4;
	_ =	sdelay $0x3  }
0x39: {  	s0 =	rddreg [dreg:$0xd]  }
0x3a: {  	[tilespmem:s0], [sflag:$0x1] =	stream.indirect_vreg.gather [hbm4b:s3+s2], $0x80, v4, vm0, $0xb8;
	[tilespmem:$0x10080] =	vst v63  }
0x3b: {  	s10 =	rddreg [dreg:$0xe];
	v3 =	vperm.xlane v3, v2  }
0x3c: {  	[tilespmem:s10], [sflag:$0x1] =	stream.indirect_vreg.gather [hbm4b:s4+s2], $0x80, v4, vm0, $0xb8;
	[tilespmem:$0x10080] =	vst v63  }
0x3d: {  	v3 =	vadd.s32 v1, v3;
	s0 =	rddreg [dreg:$0xf]  }
0x3e: {  	[tilespmem:s0], [sflag:$0x1] =	stream.indirect_vreg.gather [hbm4b:s5+s2], $0x80, v4, vm0, $0xb8;
	[tilespmem:$0x10080] =	vst v63  }
0x3f: {  	s10 =	simm.s32 $0x5880  }
0x40: {  	[tilespmem:s10], [sflag:$0x1] =	stream.indirect_vreg.gather [hbm4b:s6+s2], $0x80, v4, vm0, $0xb8;
	[tilespmem:$0x10080] =	vst v63  }
0x41: {  	_ = 	snop  }
0x42: {  	[tilespmem:s11], [sflag:$0x1] =	stream.indirect_vreg.gather [hbm4b:s3+s2], $0x80, v3, vm0, $0xb8;
	[tilespmem:$0x10080] =	vst v63  }
0x43: {  	_ = 	snop  }
0x44: {  	[tilespmem:s12], [sflag:$0x1] =	stream.indirect_vreg.gather [hbm4b:s4+s2], $0x80, v3, vm0, $0xb8;
	[tilespmem:$0x10080] =	vst v63  }
0x45: {  	_ = 	snop  }
0x46: {  	[tilespmem:s13], [sflag:$0x1] =	stream.indirect_vreg.gather [hbm4b:s5+s2], $0x80, v3, vm0, $0xb8;
	[tilespmem:$0x10080] =	vst v63  }
0x47: {  	_ = 	snop  }
0x48: {  	[tilespmem:s14], [sflag:$0x1] =	stream.indirect_vreg.gather [hbm4b:s6+s2], $0x80, v3, vm0, $0xb8;
	[tilespmem:$0x10080] =	vst v63  }
0x49: {  	v3 =	vld [tilespmem:$0x20];
	_ =	sdelay $0x4  }
0x4a: {  	v62 =	vshll.u32 v3, $0x3  }
0x4b: {  	v3 =	vand.u32 $0x7, v3;
	v4 =	vand.u32 $0xFFFFFFC0, v62  }
0x4c: {  	v3 =	vor.u32 v3, v4  }
0x4d: {  	v4 =	vperm.xlane v3, v0;
	_ =	sdelay $0x1  }
0x4e: {  	v4 =	vadd.s32 v1, v4;
	_ =	sdelay $0x4  }
0x4f: {  	[tilespmem:s15], [sflag:$0x1] =	stream.indirect_vreg.gather [hbm4b:s3+s2], $0x80, v4, vm0, $0xb8;
	[tilespmem:$0x10080] =	vst v63  }
0x50: {  	v3 =	vperm.xlane v3, v2  }
0x51: {  	[tilespmem:s16], [sflag:$0x1] =	stream.indirect_vreg.gather [hbm4b:s4+s2], $0x80, v4, vm0, $0xb8;
	[tilespmem:$0x10080] =	vst v63  }
0x52: {  	v3 =	vadd.s32 v1, v3  }
0x53: {  	[tilespmem:s17], [sflag:$0x1] =	stream.indirect_vreg.gather [hbm4b:s5+s2], $0x80, v4, vm0, $0xb8;
	[tilespmem:$0x10080] =	vst v63  }
0x54: {  	_ = 	snop  }
0x55: {  	[tilespmem:s18], [sflag:$0x1] =	stream.indirect_vreg.gather [hbm4b:s6+s2], $0x80, v4, vm0, $0xb8;
	[tilespmem:$0x10080] =	vst v63  }
0x56: {  	_ = 	snop  }
0x57: {  	[tilespmem:s19], [sflag:$0x1] =	stream.indirect_vreg.gather [hbm4b:s3+s2], $0x80, v3, vm0, $0xb8;
	[tilespmem:$0x10080] =	vst v63  }
0x58: {  	_ = 	snop  }
0x59: {  	[tilespmem:s20], [sflag:$0x1] =	stream.indirect_vreg.gather [hbm4b:s4+s2], $0x80, v3, vm0, $0xb8;
	[tilespmem:$0x10080] =	vst v63  }
0x5a: {  	_ = 	snop  }
0x5b: {  	[tilespmem:s21], [sflag:$0x1] =	stream.indirect_vreg.gather [hbm4b:s5+s2], $0x80, v3, vm0, $0xb8;
	[tilespmem:$0x10080] =	vst v63  }
0x5c: {  	_ = 	snop  }
0x5d: {  	[tilespmem:s22], [sflag:$0x1] =	stream.indirect_vreg.gather [hbm4b:s6+s2], $0x80, v3, vm0, $0xb8;
	[tilespmem:$0x10080] =	vst v63  }
0x5e: {  	v3 =	vld [tilespmem:$0x30];
	_ =	sdelay $0x4  }
0x5f: {  	v63 =	vshll.u32 v3, $0x3  }
0x60: {  	v3 =	vand.u32 $0x7, v3;
	v4 =	vand.u32 $0xFFFFFFC0, v63  }
0x61: {  	v3 =	vor.u32 v3, v4  }
0x62: {  	v4 =	vperm.xlane v3, v0;
	_ =	sdelay $0x1  }
0x63: {  	v4 =	vadd.s32 v1, v4;
	_ =	sdelay $0x4  }
0x64: {  	[tilespmem:s23], [sflag:$0x1] =	stream.indirect_vreg.gather [hbm4b:s3+s2], $0x80, v4, vm0, $0xb8;
	[tilespmem:$0x10080] =	vst v63  }
0x65: {  	v3 =	vperm.xlane v3, v2  }
0x66: {  	[tilespmem:s24], [sflag:$0x1] =	stream.indirect_vreg.gather [hbm4b:s4+s2], $0x80, v4, vm0, $0xb8;
	[tilespmem:$0x10080] =	vst v63  }
0x67: {  	v3 =	vadd.s32 v1, v3  }
0x68: {  	[tilespmem:s25], [sflag:$0x1] =	stream.indirect_vreg.gather [hbm4b:s5+s2], $0x80, v4, vm0, $0xb8;
	[tilespmem:$0x10080] =	vst v63  }
0x69: {  	_ = 	snop  }
0x6a: {  	[tilespmem:s26], [sflag:$0x1] =	stream.indirect_vreg.gather [hbm4b:s6+s2], $0x80, v4, vm0, $0xb8;
	[tilespmem:$0x10080] =	vst v63  }
0x6b: {  	_ = 	snop  }
0x6c: {  	[tilespmem:s28], [sflag:$0x1] =	stream.indirect_vreg.gather [hbm4b:s3+s2], $0x80, v3, vm0, $0xb8;
	[tilespmem:$0x10080] =	vst v63  }
0x6d: {  	_ = 	snop  }
0x6e: {  	[tilespmem:s29], [sflag:$0x1] =	stream.indirect_vreg.gather [hbm4b:s4+s2], $0x80, v3, vm0, $0xb8;
	[tilespmem:$0x10080] =	vst v63  }
0x6f: {  	_ = 	snop  }
0x70: {  	[tilespmem:s30], [sflag:$0x1] =	stream.indirect_vreg.gather [hbm4b:s5+s2], $0x80, v3, vm0, $0xb8;
	[tilespmem:$0x10080] =	vst v63  }
0x71: {  	_ = 	snop  }
0x72: {  	[tilespmem:s31], [sflag:$0x1] =	stream.indirect_vreg.gather [hbm4b:s6+s2], $0x80, v3, vm0, $0xb8;
	[tilespmem:$0x10080] =	vst v63  }
0x73: {  	_ =	swait.ge [sflag:s1], $0x10000  }
0x74: {  	p0 =	sne.s32 s7, $0x1;
	[sflag:s1] =	ssyncset.done $0x0  }
.Ltmp0:
0x75: {  	s10 =	rddreg [dreg:$0x5];
	[sflag:s1] =	ssyncadd.s32 $0xFFFF0000;
	(pc) =	sbr.rel @p0 .LBB2_1-.Ltmp0, $4  }
0x76: {  	[hbm4b:s10+s2] =	stream.linear.scatter [tilespmem:s9], [sflag:$0x2], $0x10000, $0x38;
	[tilespmem:$0x10080] =	vst v63  }
0x77: {  	_ =	swait.ge [sflag:s8], $0x10000  }
0x78: {  	[sflag:s8] =	ssyncset.done $0x0  }
0x79: {  	s7 =	sadd.s32 $0xFFFFFFFF, s7;
	[sflag:s8] =	ssyncadd.s32 $0xFFFF0000  }
0x7a: {  	_ =	sfence.sel $0x180000  }
0x7b: {  	[bflag:$0x0] =	sbarrier.arrive $0xFFFF  }
0x7c: {  	_ =	strace $0x9000004A  }
0x7d: {  	s0 =	stileid.u32;
	[bflag:$0x2] =	sbarrier.arrive $0xFFFF  }
0x7e: {  	p0 =	sne.s32 s0, $0x0;
	s0 =	rddreg [dreg:$0x3]  }
0x7f: {  	s0 =	sadd.s32 @!p0 $0x100000, s0  }
0x80: {  	[sflag:s0] =	ssyncadd.tile.s32 @!p0 $0x1;
	_ =	shalt  }
.Lfunc_end2:
_tile_overlayer_lowered:
.L_overlay_start_2:
0x81: {  	(tag) =	ssettag $0x2  }
0x82: {  	s0 =	rddreg [dreg:$0x0];
	s2 =	stileid.u32  }
0x83: {  	s1 =	rddreg [dreg:$0x1];
	p0 =	sne.s32 s2, $0x0  }
0x84: {  	s3 =	rddreg [dreg:$0x2];
	[bflag:$0x3] =	sbarrier.arrive $0xFFFF;
	s2 =	simm.s32 @!p0 $0x1C02  }
0x85: {  	[timem:s3], [sflag:s2] =	dma.local @!p0 [hbm:s0], s1  }
0x86: {  	s0 =	simm.s32 @!p0 $0x2  }
0x87: {  	_ =	swait.ge @!p0 [sflag:s0], s1  }
0x88: {  	s1 =	ssub.s32 @!p0 $0x0, s1;
	[sflag:s0] =	ssyncset.done @!p0 $0x0  }
0x89: {  	[sflag:s0] =	ssyncadd.s32 @!p0 s1  }
0x8a: {  	[bflag:$0x3] =	sbarrier.arrive $0xFFFF  }
0x8b: {  	_ =	shalt  }

// kernel: kernel.7.cloned.1.call-start
scs
__scs_entry_jumppad:
0x0: {  	(pc) =	sbr.rel $0x88, $3  }
0x1: {  	(tag) =	ssettag $0x0;
	lr =	simm.s32 $0x1  }
0x2: {  	[smem:$0x3F96] =	sst lr;
	_ =	strace $0xD0000000  }
0x3: {  	_ = 	snop  }
0x4: {  	_ = 	snop  }
0x5: {  	_ = 	snop  }
0x6: {  	_ = 	snop  }
0x7: {  	_ = 	snop  }
__scs_overlays_trampoline_lowered:
0x8: {  	[smem:$0x3FA5] =	sst s0  }
0x9: {  	[smem:$0x3FA6] =	sst s1  }
0xa: {  	[smem:$0x3FA7] =	sst s2  }
0xb: {  	[smem:$0x3FA8] =	sst s3  }
0xc: {  	[smem:$0x3FA9] =	sst s4  }
0xd: {  	[smem:$0x3FAA] =	sst s5  }
0xe: {  	[smem:$0x3FAB] =	sst s6  }
0xf: {  	[smem:$0x3FAC] =	sst s7  }
0x10: {  	[smem:$0x3FAD] =	sst s8  }
0x11: {  	[smem:$0x3FAE] =	sst s9;
	s0 =	simm.s32 @!p0 $0x0  }
0x12: {  	s1 =	sld [smem:$0x3F94];
	s0 =	simm.s32 @p0 $0x1  }
0x13: {  	[smem:$0x3FAF] =	sst s0;
	s0 =	simm.s32 @!p1 $0x0  }
0x14: {  	s2 =	sld [smem:$0x3F93];
	s0 =	simm.s32 @p1 $0x1  }
0x15: {  	[smem:$0x3FB0] =	sst s0;
	s0 =	simm.s32 @!p2 $0x0  }
0x16: {  	s3 =	sld [smem:$0x3FDB];
	s0 =	simm.s32 @p2 $0x1  }
0x17: {  	s4 =	simm.s32 $0x1BF5;
	[smem:$0x3FB2] =	sst s0  }
0x18: {  	s0 =	sld [smem:$0x3F95];
	_ =	swait.ge [sflag:s4], $0x0  }
0x19: {  	s7 =	sld [smem:$0x3F96]  }
0x1a: {  	s8 =	sadd.s32 $0xFFFFE003, lr  }
0x1b: {  	s9 =	sadd.s32 $0xFFFFFEF7, lr;
	s5 =	simm.s32 $0xFFFFFFFF;
	p2 =	slt.u32 s8, $0xFFFFF086  }
0x1c: {  	p1 =	slt.u32 s9, $0xF7A;
	s5 =	simm.s32 @!p2 $0x0  }
0x1d: {  	s5 =	simm.s32 @p1 $0x1;
	p0 =	seq.s32 s7, s2  }
0x1e: {  	s7 =	smul.u32 @!p0 $0xF7A, s2;
	p2 =	seq.s32 @!p0 s5, $0x0  }
0x1f: {  	s9 =	smul.u32 $0xF7A, s1;
	s8 =	simm.s32 @!p0 $0x1BF5;
	p2 =	por !p2, p0  }
0x20: {  	[sflag:s8] =	ssyncset.s32 @!p0 $0xFFFFF086;
	s6 =	sadd.s32 @!p0 s3, s7;
	s7 =	simm.s32 @!p0 $0x108  }
0x21: {  	s3 =	sadd.s32 s3, s9;
	s6 =	sadd.s32 @!p0 $0x88, s6;
	s7 =	simm.s32 @p2 $0x1082  }
0x22: {  	[simem:s7], [sflag:s8] =	dma.local @!p0 [hbm:s6], $0xF7A  }
0x23: {  	s9 =	sor.u32 $0xD0000000, s2;
	s6 =	simm.s32 $0x108;
	_ =	swait.ge @!p0 [sflag:s8], $0x0  }
0x24: {  	s3 =	sadd.s32 $0x88, s3;
	s6 =	simm.s32 @!p1 $0x1082;
	[sflag:s4] =	ssyncset.s32 $0xFFFFF086  }
0x25: {  	[simem:s6], [sflag:s4] =	dma.local [hbm:s3], $0xF7A  }
0x26: {  	[smem:$0x3F96] =	sst s1;
	(tag) =	ssettag s2;
	_ =	strace s9  }
0x27: {  	s1 =	sld [smem:$0x3FA6]  }
0x28: {  	s2 =	sld [smem:$0x3FA7]  }
0x29: {  	s4 =	sld [smem:$0x3FA9]  }
0x2a: {  	p0 =	seq.s32 s5, $0x0;
	s5 =	sld [smem:$0x3FAA]  }
0x2b: {  	s6 =	sld [smem:$0x3FAB]  }
0x2c: {  	s7 =	sld [smem:$0x3FAC]  }
0x2d: {  	s3 =	simm.s32 $0x108;
	s8 =	sld [smem:$0x3FAD]  }
0x2e: {  	s3 =	simm.s32 @!p0 $0x1082;
	s9 =	sld [smem:$0x3FAE]  }
0x2f: {  	lr =	sadd.s32 s0, s3;
	s0 =	sld [smem:$0x3FA5]  }
0x30: {  	s3 =	sld [smem:$0x3FA8]  }
0x31: {  	[smem:$0x3FB1] =	sst s10  }
0x32: {  	s10 =	sld [smem:$0x3FAF];
	_ =	sdelay $0x3  }
0x33: {  	p0 =	seq.s32 s10, $0x1;
	s10 =	sld [smem:$0x3FB1];
	_ =	sdelay $0x3  }
0x34: {  	[smem:$0x3FB1] =	sst s10  }
0x35: {  	s10 =	sld [smem:$0x3FB0];
	_ =	sdelay $0x3  }
0x36: {  	p1 =	seq.s32 s10, $0x1;
	s10 =	sld [smem:$0x3FB1];
	_ =	sdelay $0x3  }
0x37: {  	[smem:$0x3FB1] =	sst s10  }
0x38: {  	s10 =	sld [smem:$0x3FB2]  }
0x39: {  	_ = 	snop;
	(pc) =	sbr.ind lr, $3  }
0x3a: {  	_ = 	snop  }
0x3b: {  	_ = 	snop  }
0x3c: {  	p2 =	seq.s32 s10, $0x1;
	s10 =	sld [smem:$0x3FB1]  }
0x3d: {  	_ =	shalt  }
0x3e: {  	_ =	shalt  }
0x3f: {  	_ =	shalt  }
0x40: {  	_ =	shalt  }
0x41: {  	_ =	shalt  }
0x42: {  	_ =	shalt  }
0x43: {  	_ =	shalt  }
0x44: {  	_ =	shalt  }
0x45: {  	_ =	shalt  }
0x46: {  	_ =	shalt  }
0x47: {  	_ =	shalt  }
0x48: {  	_ =	shalt  }
0x49: {  	_ =	shalt  }
0x4a: {  	_ =	shalt  }
0x4b: {  	_ =	shalt  }
0x4c: {  	_ =	shalt  }
0x4d: {  	_ =	shalt  }
0x4e: {  	_ =	shalt  }
0x4f: {  	_ =	shalt  }
0x50: {  	_ =	shalt  }
0x51: {  	_ =	shalt  }
0x52: {  	_ =	shalt  }
0x53: {  	_ =	shalt  }
0x54: {  	_ =	shalt  }
0x55: {  	_ =	shalt  }
0x56: {  	_ =	shalt  }
0x57: {  	_ =	shalt  }
0x58: {  	_ =	shalt  }
0x59: {  	_ =	shalt  }
0x5a: {  	_ =	shalt  }
0x5b: {  	_ =	shalt  }
0x5c: {  	_ =	shalt  }
0x5d: {  	_ =	shalt  }
0x5e: {  	_ =	shalt  }
0x5f: {  	_ =	shalt  }
0x60: {  	_ =	shalt  }
0x61: {  	_ =	shalt  }
0x62: {  	_ =	shalt  }
0x63: {  	_ =	shalt  }
0x64: {  	_ =	shalt  }
0x65: {  	_ =	shalt  }
0x66: {  	_ =	shalt  }
0x67: {  	_ =	shalt  }
0x68: {  	_ =	shalt  }
0x69: {  	_ =	shalt  }
0x6a: {  	_ =	shalt  }
0x6b: {  	_ =	shalt  }
0x6c: {  	_ =	shalt  }
0x6d: {  	_ =	shalt  }
0x6e: {  	_ =	shalt  }
0x6f: {  	_ =	shalt  }
0x70: {  	_ =	shalt  }
0x71: {  	_ =	shalt  }
0x72: {  	_ =	shalt  }
0x73: {  	_ =	shalt  }
0x74: {  	_ =	shalt  }
0x75: {  	_ =	shalt  }
0x76: {  	_ =	shalt  }
0x77: {  	_ =	shalt  }
0x78: {  	_ =	shalt  }
0x79: {  	_ =	shalt  }
0x7a: {  	_ =	shalt  }
0x7b: {  	_ =	shalt  }
0x7c: {  	_ =	shalt  }
0x7d: {  	_ =	shalt  }
0x7e: {  	_ =	shalt  }
0x7f: {  	_ =	shalt  }
0x80: {  	_ =	shalt  }
0x81: {  	_ =	shalt  }
0x82: {  	_ =	shalt  }
0x83: {  	_ =	shalt  }
0x84: {  	_ =	shalt  }
0x85: {  	_ =	shalt  }
0x86: {  	_ =	shalt  }
0x87: {  	_ =	shalt  }
.Lfunc_end0:
.L_simem_size_0:
called_computation_lowered:
.L_overlay_start_0:
0x88: {  	s2 =	sld [smem:$0x3FD9]  }
0x89: {  	s3 =	sld [smem:$0x3FFE];
	_ =	sdelay $0x1  }
0x8a: {  	s1 =	srdreg.scid  }
0x8b: {  	s0 =	sand.u32 $0x1, s1  }
0x8c: {  	s14 =	sshll.u32 s0, $0xA;
	s2 =	sadd.s32 s3, s2  }
0x8d: {  	s2 =	sadd.s32 s2, s14  }
0x8e: {  	[smem:$0x3FBD] =	sst s2  }
0x8f: {  	_ = 	snop  }
0x90: {  	s2 =	sld [smem:$0x3FD0];
	_ =	sdelay $0x2  }
0x91: {  	s4 =	simm.s32 $0xA;
	s5 =	simm.s32 $0x10;
	s15 =	sld [smem:$0x3FC9]  }
0x92: {  	[smem:s5], [sflag:s4] =	dma.local [hbm:s2], $0x1  }
0x93: {  	_ =	swait.eq [sflag:s4], $0x1  }
0x94: {  	[sflag:s4] =	ssyncset.done $0x0  }
0x95: {  	s16 =	sld [smem:$0x12];
	[sflag:s4] =	ssyncadd.s32 $0xFFFFFFFF  }
0x96: {  	s17 =	sld [smem:$0x13];
	(tm) =	ssettm $0x1  }
0x97: {  	s18 =	sld [smem:$0x3FFB];
	_ =	sdelay $0x3  }
0x98: {  	_ =	strace s18  }
0x99: {  	s5 =	sld [smem:$0x3FFC];
	_ =	sdelay $0x3  }
0x9a: {  	_ =	strace s5  }
0x9b: {  	s5 =	sld [smem:$0x3FFD];
	_ =	sdelay $0x3  }
0x9c: {  	_ =	strace s5  }
0x9d: {  	_ =	strace $0x8FFFFFFF  }
0x9e: {  	s19 =	sld [smem:$0x3FDB];
	_ =	sdelay $0x1  }
0x9f: {  	s6 =	simm.s32 $_scs_section_size  }
0xa0: {  	s7 =	simm.s32 $_size__tile_overlayer_lowered;
	s8 =	simm.s32 $_tile_overlayer_lowered  }
0xa1: {  	s22 =	simm.s32 $0x1BFF;
	s21 =	sshll.u32 s8, $0x1;
	s5 =	sadd.s32 s6, s19  }
0xa2: {  	s9 =	simm.s32 $0x0;
	s20 =	sshll.u32 s7, $0x1;
	s7 =	sadd.s32 s21, s5  }
0xa3: {  	[timem:s9], [sflag:s22] =	dma.local [hbm:s7], s20  }
0xa4: {  	_ =	swait.ge [sflag:s22], s20  }
0xa5: {  	s6 =	ssub.s32 $0x0, s20;
	[sflag:s22] =	ssyncset.done $0x0  }
0xa6: {  	[sflag:s22] =	ssyncadd.s32 s6;
	_ =	sdelay $0x1  }
0xa7: {  	s23 =	simm.s32 $0x1B8B  }
0xa8: {  	_ =	swait.ge [sflag:s23], $0x1  }
0xa9: {  	[sflag:s23] =	ssyncset.done $0x0  }
0xaa: {  	s25 =	simm.s32 $0x1B8E;
	s24 =	sld [smem:$0x3FFE];
	[sflag:s23] =	ssyncadd.s32 $0xFFFFFFFF  }
0xab: {  	s26 =	simm.s32 $execute0_lowered;
	[smem:$0x3FD2] =	sst s25  }
0xac: {  	s7 =	sshll.u32 s26, $0x1;
	_ =	strace $0x80000046;
	[dreg:$0x1] =	wrdreg $0xFFFFFFFF  }
0xad: {  	s28 =	simm.s32 $_size_execute0_lowered;
	s5 =	sadd.s32 s5, s7;
	[dreg:$0x0] =	wrdreg $0x0  }
0xae: {  	s7 =	sshll.u32 s28, $0x1;
	[dreg:$0x2] =	wrdreg s5  }
0xaf: {  	[dreg:$0x3] =	wrdreg s7  }
0xb0: {  	[dreg:$0x4] =	wrdreg $0xC0  }
0xb1: {  	_ =	task [dreg:s9], $0x5FFFF  }
0xb2: {  	[dreg:$0x1] =	wrdreg $0xFFFFFFFF  }
0xb3: {  	[dreg:$0x0] =	wrdreg $0x60  }
0xb4: {  	[dreg:$0x2] =	wrdreg s16  }
0xb5: {  	[dreg:$0x3] =	wrdreg s15  }
0xb6: {  	[dreg:$0x4] =	wrdreg s17  }
0xb7: {  	[dreg:$0x5] =	wrdreg s24  }
0xb8: {  	[dreg:$0x6] =	wrdreg $0x9  }
0xb9: {  	_ =	task.clear_ibuf [dreg:s9], $0x7FFFF;
	_ =	strace $0x90000046  }
0xba: {  	s29 =	simm.s32 $0x9;
	_ =	strace $0x80000048  }
0xbb: {  	_ =	swait.ge [sflag:s29], $0x1  }
0xbc: {  	[sflag:s29] =	ssyncadd.s32 $0xFFFFFFFF  }
0xbd: {  	_ =	strace $0x90000048  }
0xbe: {  	_ =	sfence  }
0xbf: {  	s30 =	sld [smem:$0x0];
	_ =	sdelay $0x2  }
0xc0: {  	s31 =	sshll.u32 s1, $0xD;
	s1 =	sshrl.u32 s1, $0x2  }
0xc1: {  	s3 =	sand.u32 $0x4000, s31;
	s1 =	sadd.s32 s1, s30  }
0xc2: {  	s0 =	sor.u32 s3, s0;
	s1 =	sshll.u32 s1, $0x11  }
0xc3: {  	s0 =	sor.u32 s1, s0  }
0xc4: {  	s0 =	sadd.s32 $0x8F2B, s0  }
0xc5: {  	[sflag:s0] =	ssyncadd.remote.s32 $0x1  }
0xc6: {  	_ =	sfence.sel $0xFFFF  }
0xc7: {  	[dreg:$0x0] =	wrdreg $0xFFFFFFFF;
	(pc) =	sbr.abs _section_cstart, $3  }
0xc8: {  	[dreg:$0x1] =	wrdreg $0xFFFFFFFF  }
0xc9: {  	_ =	task.clear_ibuf [dreg:s9], $0x2FFFF;
	_ =	strace $0x9FFFFFFF  }
0xca: {  	(tm) =	ssettm $0x7FFFFFFF  }
0xcb: {  	_ =	shalt  }
tec
execute0_lowered:
.L_overlay_start_1:
0x0: {  	(tag) =	ssettag $0x1  }
0x1: {  	s0 =	rddreg [dreg:$0x0]  }
0x2: {  	s1 =	rddreg [dreg:$0x1]  }
0x3: {  	s8 =	rddreg [dreg:$0x2]  }
0x4: {  	s10 =	rddreg [dreg:$0x3];
	s3 =	srdreg.scid;
	s2 =	simm.s32 $0x0  }
0x5: {  	s4 =	stileid.u32;
	s12 =	simm.s32 $0x2;
	s29 =	simm.s32 $0x880  }
0x6: {  	s30 =	simm.s32 $0x1080;
	s31 =	simm.s32 $0x1880;
	s14 =	simm.s32 $0x3080  }
0x7: {  	s15 =	simm.s32 $0x3880;
	s16 =	simm.s32 $0x4080;
	s17 =	simm.s32 $0x4880  }
0x8: {  	s18 =	simm.s32 $0x5080;
	s19 =	simm.s32 $0x5880;
	s20 =	simm.s32 $0x6080  }
0x9: {  	s21 =	simm.s32 $0x6880;
	s13 =	simm.s32 $0x9080;
	s5 =	sand.u32 $0x1, s3  }
0xa: {  	[smem:$0x7FF] =	sst s2;
	s22 =	sshll.u32 s4, $0x7;
	s3 =	sadd.s32 $0x3000, s10  }
0xb: {  	s4 =	sadd.s32 $0x4B000, s10;
	s23 =	sshll.u32 s5, $0x6;
	s5 =	ssub.s32 $0x2, s5  }
0xc: {  	_ =	strace $0x80000047;
	s6 =	sor.u32 s23, s22;
	s24 =	sshrl.u32 s5, $0x1  }
0xd: {  	s22 =	simm.s32 $0x7080;
	s23 =	simm.s32 $0x7880;
	s7 =	sshrl.u32 s6, $0x3  }
0xe: {  	s9 =	sshll.u32 s6, $0x7;
	s26 =	ssub.s32 s5, s24;
	s5 =	sadd.s32 $0x3100, s10  }
0xf: {  	s6 =	sadd.s32 $0x3200, s10;
	s24 =	simm.s32 $0x8080;
	s0 =	sadd.s32 s0, s7  }
0x10: {  	s25 =	sadd.s32 s1, s9;
	s7 =	sadd.s32 $0x3300, s10;
	s28 =	sadd.s32 s8, s9  }
0x11: {  	v2 =	vlaneseq.u32;
	s8 =	sadd.s32 $0x4B100, s10;
	s9 =	sadd.s32 $0x4B200, s10;
	[dreg:$0x5] =	wrdreg s0  }
0x12: {  	vm0 =	vmmov $0xffff;
	v1 =	vshrl.u32 v2, $0x3;
	s10 =	sadd.s32 $0x4B300, s10;
	s11 =	smax.u32 s26, $0x1;
	[dreg:$0x6] =	wrdreg s25  }
0x13: {  	v0 =	vand.u32 $0x7, v2;
	v2 =	vor.u32 $0x8, v2;
	v1 =	vmul.u32 $0x8, v1;
	s26 =	simm.s32 $0x1;
	[dreg:$0x7] =	wrdreg s28;
	s25 =	simm.s32 $0x8880  }
.LBB2_1:
0x14: {  	s28 =	rddreg [dreg:$0x5]  }
0x15: {  	[tilespmem:s2], [sflag:$0x2] =	stream.linear.gather [hbm4b:s28+s2], $0x40, $0x38;
	[tilespmem:$0x10080] =	vst v63  }
0x16: {  	_ =	swait.ge [sflag:s12], $0x40  }
0x17: {  	[sflag:s12] =	ssyncset.done $0x0  }
0x18: {  	s0 =	simm.s32 $0x80;
	s1 =	rddreg [dreg:$0x6];
	[sflag:s12] =	ssyncadd.s32 $0xFFFFFFC0  }
0x19: {  	[tilespmem:s0], [sflag:$0x2] =	stream.linear.gather [hbm4b:s1+s2], $0x10000, $0x38;
	[tilespmem:$0x10080] =	vst v63  }
0x1a: {  	_ =	swait.ge [sflag:s12], $0x10000  }
0x1b: {  	[sflag:s12] =	ssyncset.done $0x0  }
0x1c: {  	[sflag:s12] =	ssyncadd.s32 $0xFFFF0000  }
0x1d: {  	v3 =	vld [tilespmem:$0x0];
	_ =	sdelay $0x4  }
0x1e: {  	v4 =	vshll.u32 v3, $0x3  }
0x1f: {  	v3 =	vand.u32 $0x7, v3;
	v4 =	vand.u32 $0xFFFFFFC0, v4  }
0x20: {  	v3 =	vor.u32 v3, v4  }
0x21: {  	v4 =	vperm.xlane v3, v0;
	_ =	sdelay $0x1  }
0x22: {  	v4 =	vadd.s32 v1, v4;
	_ =	sdelay $0x4  }
0x23: {  	[hbm4b:s3+s2] =	stream.indirect_vreg.scatter [tilespmem:s0], [sflag:$0x1], $0x80, v4, vm0, $0xb8;
	[tilespmem:$0x10080] =	vst v63  }
0x24: {  	v3 =	vperm.xlane v3, v2  }
0x25: {  	[hbm4b:s5+s2] =	stream.indirect_vreg.scatter [tilespmem:s29], [sflag:$0x1], $0x80, v4, vm0, $0xb8;
	[tilespmem:$0x10080] =	vst v63  }
0x26: {  	v3 =	vadd.s32 v1, v3  }
0x27: {  	[hbm4b:s6+s2] =	stream.indirect_vreg.scatter [tilespmem:s30], [sflag:$0x1], $0x80, v4, vm0, $0xb8;
	[tilespmem:$0x10080] =	vst v63  }
0x28: {  	_ = 	snop  }
0x29: {  	[hbm4b:s7+s2] =	stream.indirect_vreg.scatter [tilespmem:s31], [sflag:$0x1], $0x80, v4, vm0, $0xb8;
	[tilespmem:$0x10080] =	vst v63  }
0x2a: {  	s1 =	simm.s32 $0x2080  }
0x2b: {  	[hbm4b:s3+s2] =	stream.indirect_vreg.scatter [tilespmem:s1], [sflag:$0x1], $0x80, v3, vm0, $0xb8;
	[tilespmem:$0x10080] =	vst v63  }
0x2c: {  	s1 =	simm.s32 $0x2880  }
0x2d: {  	[hbm4b:s5+s2] =	stream.indirect_vreg.scatter [tilespmem:s1], [sflag:$0x1], $0x80, v3, vm0, $0xb8;
	[tilespmem:$0x10080] =	vst v63  }
0x2e: {  	_ = 	snop  }
0x2f: {  	[hbm4b:s6+s2] =	stream.indirect_vreg.scatter [tilespmem:s14], [sflag:$0x1], $0x80, v3, vm0, $0xb8;
	[tilespmem:$0x10080] =	vst v63  }
0x30: {  	_ = 	snop  }
0x31: {  	[hbm4b:s7+s2] =	stream.indirect_vreg.scatter [tilespmem:s15], [sflag:$0x1], $0x80, v3, vm0, $0xb8;
	[tilespmem:$0x10080] =	vst v63  }
0x32: {  	v3 =	vld [tilespmem:$0x10];
	_ =	sdelay $0x4  }
0x33: {  	v57 =	vshll.u32 v3, $0x3  }
0x34: {  	v3 =	vand.u32 $0x7, v3;
	v4 =	vand.u32 $0xFFFFFFC0, v57  }
0x35: {  	v3 =	vor.u32 v3, v4  }
0x36: {  	v4 =	vperm.xlane v3, v0;
	_ =	sdelay $0x1  }
0x37: {  	v4 =	vadd.s32 v1, v4;
	_ =	sdelay $0x4  }
0x38: {  	[hbm4b:s3+s2] =	stream.indirect_vreg.scatter [tilespmem:s16], [sflag:$0x1], $0x80, v4, vm0, $0xb8;
	[tilespmem:$0x10080] =	vst v63  }
0x39: {  	v3 =	vperm.xlane v3, v2  }
0x3a: {  	[hbm4b:s5+s2] =	stream.indirect_vreg.scatter [tilespmem:s17], [sflag:$0x1], $0x80, v4, vm0, $0xb8;
	[tilespmem:$0x10080] =	vst v63  }
0x3b: {  	v3 =	vadd.s32 v1, v3  }
0x3c: {  	[hbm4b:s6+s2] =	stream.indirect_vreg.scatter [tilespmem:s18], [sflag:$0x1], $0x80, v4, vm0, $0xb8;
	[tilespmem:$0x10080] =	vst v63  }
0x3d: {  	_ = 	snop  }
0x3e: {  	[hbm4b:s7+s2] =	stream.indirect_vreg.scatter [tilespmem:s19], [sflag:$0x1], $0x80, v4, vm0, $0xb8;
	[tilespmem:$0x10080] =	vst v63  }
0x3f: {  	_ = 	snop  }
0x40: {  	[hbm4b:s3+s2] =	stream.indirect_vreg.scatter [tilespmem:s20], [sflag:$0x1], $0x80, v3, vm0, $0xb8;
	[tilespmem:$0x10080] =	vst v63  }
0x41: {  	_ = 	snop  }
0x42: {  	[hbm4b:s5+s2] =	stream.indirect_vreg.scatter [tilespmem:s21], [sflag:$0x1], $0x80, v3, vm0, $0xb8;
	[tilespmem:$0x10080] =	vst v63  }
0x43: {  	_ = 	snop  }
0x44: {  	[hbm4b:s6+s2] =	stream.indirect_vreg.scatter [tilespmem:s22], [sflag:$0x1], $0x80, v3, vm0, $0xb8;
	[tilespmem:$0x10080] =	vst v63  }
0x45: {  	_ = 	snop  }
0x46: {  	[hbm4b:s7+s2] =	stream.indirect_vreg.scatter [tilespmem:s23], [sflag:$0x1], $0x80, v3, vm0, $0xb8;
	[tilespmem:$0x10080] =	vst v63  }
0x47: {  	v3 =	vld [tilespmem:$0x20];
	_ =	sdelay $0x4  }
0x48: {  	v58 =	vshll.u32 v3, $0x3  }
0x49: {  	v3 =	vand.u32 $0x7, v3;
	v4 =	vand.u32 $0xFFFFFFC0, v58  }
0x4a: {  	v3 =	vor.u32 v3, v4  }
0x4b: {  	v4 =	vperm.xlane v3, v0;
	_ =	sdelay $0x1  }
0x4c: {  	v4 =	vadd.s32 v1, v4;
	_ =	sdelay $0x4  }
0x4d: {  	[hbm4b:s3+s2] =	stream.indirect_vreg.scatter [tilespmem:s24], [sflag:$0x1], $0x80, v4, vm0, $0xb8;
	[tilespmem:$0x10080] =	vst v63  }
0x4e: {  	v3 =	vperm.xlane v3, v2  }
0x4f: {  	[hbm4b:s5+s2] =	stream.indirect_vreg.scatter [tilespmem:s25], [sflag:$0x1], $0x80, v4, vm0, $0xb8;
	[tilespmem:$0x10080] =	vst v63  }
0x50: {  	v3 =	vadd.s32 v1, v3  }
0x51: {  	[hbm4b:s6+s2] =	stream.indirect_vreg.scatter [tilespmem:s13], [sflag:$0x1], $0x80, v4, vm0, $0xb8;
	[tilespmem:$0x10080] =	vst v63  }
0x52: {  	s28 =	simm.s32 $0x9880  }
0x53: {  	[hbm4b:s7+s2] =	stream.indirect_vreg.scatter [tilespmem:s28], [sflag:$0x1], $0x80, v4, vm0, $0xb8;
	[tilespmem:$0x10080] =	vst v63  }
0x54: {  	s28 =	simm.s32 $0xA080  }
0x55: {  	[hbm4b:s3+s2] =	stream.indirect_vreg.scatter [tilespmem:s28], [sflag:$0x1], $0x80, v3, vm0, $0xb8;
	[tilespmem:$0x10080] =	vst v63  }
0x56: {  	s28 =	simm.s32 $0xA880  }
0x57: {  	[hbm4b:s5+s2] =	stream.indirect_vreg.scatter [tilespmem:s28], [sflag:$0x1], $0x80, v3, vm0, $0xb8;
	[tilespmem:$0x10080] =	vst v63  }
0x58: {  	s28 =	simm.s32 $0xB080  }
0x59: {  	[hbm4b:s6+s2] =	stream.indirect_vreg.scatter [tilespmem:s28], [sflag:$0x1], $0x80, v3, vm0, $0xb8;
	[tilespmem:$0x10080] =	vst v63  }
0x5a: {  	s28 =	simm.s32 $0xB880  }
0x5b: {  	[hbm4b:s7+s2] =	stream.indirect_vreg.scatter [tilespmem:s28], [sflag:$0x1], $0x80, v3, vm0, $0xb8;
	[tilespmem:$0x10080] =	vst v63  }
0x5c: {  	v3 =	vld [tilespmem:$0x30];
	_ =	sdelay $0x4  }
0x5d: {  	v59 =	vshll.u32 v3, $0x3  }
0x5e: {  	v3 =	vand.u32 $0x7, v3;
	v4 =	vand.u32 $0xFFFFFFC0, v59  }
0x5f: {  	v3 =	vor.u32 v3, v4  }
0x60: {  	v4 =	vperm.xlane v3, v0;
	_ =	sdelay $0x1  }
0x61: {  	v4 =	vadd.s32 v1, v4;
	_ =	sdelay $0x3  }
0x62: {  	s28 =	simm.s32 $0xC080  }
0x63: {  	[hbm4b:s3+s2] =	stream.indirect_vreg.scatter [tilespmem:s28], [sflag:$0x1], $0x80, v4, vm0, $0xb8;
	[tilespmem:$0x10080] =	vst v63  }
0x64: {  	v3 =	vperm.xlane v3, v2;
	s28 =	simm.s32 $0xC880  }
0x65: {  	[hbm4b:s5+s2] =	stream.indirect_vreg.scatter [tilespmem:s28], [sflag:$0x1], $0x80, v4, vm0, $0xb8;
	[tilespmem:$0x10080] =	vst v63  }
0x66: {  	v3 =	vadd.s32 v1, v3;
	s28 =	simm.s32 $0xD080  }
0x67: {  	[hbm4b:s6+s2] =	stream.indirect_vreg.scatter [tilespmem:s28], [sflag:$0x1], $0x80, v4, vm0, $0xb8;
	[tilespmem:$0x10080] =	vst v63  }
0x68: {  	s28 =	simm.s32 $0xD880  }
0x69: {  	[hbm4b:s7+s2] =	stream.indirect_vreg.scatter [tilespmem:s28], [sflag:$0x1], $0x80, v4, vm0, $0xb8;
	[tilespmem:$0x10080] =	vst v63  }
0x6a: {  	s28 =	simm.s32 $0xE080  }
0x6b: {  	[hbm4b:s3+s2] =	stream.indirect_vreg.scatter [tilespmem:s28], [sflag:$0x1], $0x80, v3, vm0, $0xb8;
	[tilespmem:$0x10080] =	vst v63  }
0x6c: {  	s28 =	simm.s32 $0xE880  }
0x6d: {  	[hbm4b:s5+s2] =	stream.indirect_vreg.scatter [tilespmem:s28], [sflag:$0x1], $0x80, v3, vm0, $0xb8;
	[tilespmem:$0x10080] =	vst v63  }
0x6e: {  	s28 =	simm.s32 $0xF080  }
0x6f: {  	[hbm4b:s6+s2] =	stream.indirect_vreg.scatter [tilespmem:s28], [sflag:$0x1], $0x80, v3, vm0, $0xb8;
	[tilespmem:$0x10080] =	vst v63  }
0x70: {  	s28 =	simm.s32 $0xF880  }
0x71: {  	[hbm4b:s7+s2] =	stream.indirect_vreg.scatter [tilespmem:s28], [sflag:$0x1], $0x80, v3, vm0, $0xb8;
	[tilespmem:$0x10080] =	vst v63  }
0x72: {  	_ =	swait.ge [sflag:s26], $0x10000  }
0x73: {  	[sflag:s26] =	ssyncset.done $0x0  }
0x74: {  	s28 =	rddreg [dreg:$0x7];
	[sflag:s26] =	ssyncadd.s32 $0xFFFF0000  }
0x75: {  	[tilespmem:s0], [sflag:$0x2] =	stream.linear.gather [hbm4b:s28+s2], $0x10000, $0x38;
	[tilespmem:$0x10080] =	vst v63  }
0x76: {  	_ =	swait.ge [sflag:s12], $0x10000  }
0x77: {  	[sflag:s12] =	ssyncset.done $0x0  }
0x78: {  	[sflag:s12] =	ssyncadd.s32 $0xFFFF0000  }
0x79: {  	v3 =	vld [tilespmem:$0x0];
	_ =	sdelay $0x4  }
0x7a: {  	v60 =	vshll.u32 v3, $0x3  }
0x7b: {  	v3 =	vand.u32 $0x7, v3;
	v4 =	vand.u32 $0xFFFFFFC0, v60  }
0x7c: {  	v3 =	vor.u32 v3, v4  }
0x7d: {  	v4 =	vperm.xlane v3, v0;
	_ =	sdelay $0x1  }
0x7e: {  	v4 =	vadd.s32 v1, v4;
	_ =	sdelay $0x4  }
0x7f: {  	[hbm4b:s4+s2] =	stream.indirect_vreg.scatter [tilespmem:s0], [sflag:$0x1], $0x80, v4, vm0, $0xb8;
	[tilespmem:$0x10080] =	vst v63  }
0x80: {  	v3 =	vperm.xlane v3, v2  }
0x81: {  	[hbm4b:s8+s2] =	stream.indirect_vreg.scatter [tilespmem:s29], [sflag:$0x1], $0x80, v4, vm0, $0xb8;
	[tilespmem:$0x10080] =	vst v63  }
0x82: {  	v3 =	vadd.s32 v1, v3  }
0x83: {  	[hbm4b:s9+s2] =	stream.indirect_vreg.scatter [tilespmem:s30], [sflag:$0x1], $0x80, v4, vm0, $0xb8;
	[tilespmem:$0x10080] =	vst v63  }
0x84: {  	_ = 	snop  }
0x85: {  	[hbm4b:s10+s2] =	stream.indirect_vreg.scatter [tilespmem:s31], [sflag:$0x1], $0x80, v4, vm0, $0xb8;
	[tilespmem:$0x10080] =	vst v63  }
0x86: {  	s28 =	simm.s32 $0x2080  }
0x87: {  	[hbm4b:s4+s2] =	stream.indirect_vreg.scatter [tilespmem:s28], [sflag:$0x1], $0x80, v3, vm0, $0xb8;
	[tilespmem:$0x10080] =	vst v63  }
0x88: {  	_ = 	snop  }
0x89: {  	[hbm4b:s8+s2] =	stream.indirect_vreg.scatter [tilespmem:s1], [sflag:$0x1], $0x80, v3, vm0, $0xb8;
	[tilespmem:$0x10080] =	vst v63  }
0x8a: {  	_ = 	snop  }
0x8b: {  	[hbm4b:s9+s2] =	stream.indirect_vreg.scatter [tilespmem:s14], [sflag:$0x1], $0x80, v3, vm0, $0xb8;
	[tilespmem:$0x10080] =	vst v63  }
0x8c: {  	_ = 	snop  }
0x8d: {  	[hbm4b:s10+s2] =	stream.indirect_vreg.scatter [tilespmem:s15], [sflag:$0x1], $0x80, v3, vm0, $0xb8;
	[tilespmem:$0x10080] =	vst v63  }
0x8e: {  	v3 =	vld [tilespmem:$0x10];
	_ =	sdelay $0x4  }
0x8f: {  	v61 =	vshll.u32 v3, $0x3  }
0x90: {  	v3 =	vand.u32 $0x7, v3;
	v4 =	vand.u32 $0xFFFFFFC0, v61  }
0x91: {  	v3 =	vor.u32 v3, v4  }
0x92: {  	v4 =	vperm.xlane v3, v0;
	_ =	sdelay $0x1  }
0x93: {  	v4 =	vadd.s32 v1, v4;
	_ =	sdelay $0x4  }
0x94: {  	[hbm4b:s4+s2] =	stream.indirect_vreg.scatter [tilespmem:s16], [sflag:$0x1], $0x80, v4, vm0, $0xb8;
	[tilespmem:$0x10080] =	vst v63  }
0x95: {  	v3 =	vperm.xlane v3, v2  }
0x96: {  	[hbm4b:s8+s2] =	stream.indirect_vreg.scatter [tilespmem:s17], [sflag:$0x1], $0x80, v4, vm0, $0xb8;
	[tilespmem:$0x10080] =	vst v63  }
0x97: {  	v3 =	vadd.s32 v1, v3  }
0x98: {  	[hbm4b:s9+s2] =	stream.indirect_vreg.scatter [tilespmem:s18], [sflag:$0x1], $0x80, v4, vm0, $0xb8;
	[tilespmem:$0x10080] =	vst v63  }
0x99: {  	_ = 	snop  }
0x9a: {  	[hbm4b:s10+s2] =	stream.indirect_vreg.scatter [tilespmem:s19], [sflag:$0x1], $0x80, v4, vm0, $0xb8;
	[tilespmem:$0x10080] =	vst v63  }
0x9b: {  	_ = 	snop  }
0x9c: {  	[hbm4b:s4+s2] =	stream.indirect_vreg.scatter [tilespmem:s20], [sflag:$0x1], $0x80, v3, vm0, $0xb8;
	[tilespmem:$0x10080] =	vst v63  }
0x9d: {  	_ = 	snop  }
0x9e: {  	[hbm4b:s8+s2] =	stream.indirect_vreg.scatter [tilespmem:s21], [sflag:$0x1], $0x80, v3, vm0, $0xb8;
	[tilespmem:$0x10080] =	vst v63  }
0x9f: {  	_ = 	snop  }
0xa0: {  	[hbm4b:s9+s2] =	stream.indirect_vreg.scatter [tilespmem:s22], [sflag:$0x1], $0x80, v3, vm0, $0xb8;
	[tilespmem:$0x10080] =	vst v63  }
0xa1: {  	_ = 	snop  }
0xa2: {  	[hbm4b:s10+s2] =	stream.indirect_vreg.scatter [tilespmem:s23], [sflag:$0x1], $0x80, v3, vm0, $0xb8;
	[tilespmem:$0x10080] =	vst v63  }
0xa3: {  	v3 =	vld [tilespmem:$0x20];
	_ =	sdelay $0x4  }
0xa4: {  	v62 =	vshll.u32 v3, $0x3  }
0xa5: {  	v3 =	vand.u32 $0x7, v3;
	v4 =	vand.u32 $0xFFFFFFC0, v62  }
0xa6: {  	v3 =	vor.u32 v3, v4  }
0xa7: {  	v4 =	vperm.xlane v3, v0;
	_ =	sdelay $0x1  }
0xa8: {  	v4 =	vadd.s32 v1, v4;
	_ =	sdelay $0x4  }
0xa9: {  	[hbm4b:s4+s2] =	stream.indirect_vreg.scatter [tilespmem:s24], [sflag:$0x1], $0x80, v4, vm0, $0xb8;
	[tilespmem:$0x10080] =	vst v63  }
0xaa: {  	v3 =	vperm.xlane v3, v2  }
0xab: {  	[hbm4b:s8+s2] =	stream.indirect_vreg.scatter [tilespmem:s25], [sflag:$0x1], $0x80, v4, vm0, $0xb8;
	[tilespmem:$0x10080] =	vst v63  }
0xac: {  	v3 =	vadd.s32 v1, v3  }
0xad: {  	[hbm4b:s9+s2] =	stream.indirect_vreg.scatter [tilespmem:s13], [sflag:$0x1], $0x80, v4, vm0, $0xb8;
	[tilespmem:$0x10080] =	vst v63  }
0xae: {  	s28 =	simm.s32 $0x9880  }
0xaf: {  	[hbm4b:s10+s2] =	stream.indirect_vreg.scatter [tilespmem:s28], [sflag:$0x1], $0x80, v4, vm0, $0xb8;
	[tilespmem:$0x10080] =	vst v63  }
0xb0: {  	s1 =	simm.s32 $0xA080  }
0xb1: {  	[hbm4b:s4+s2] =	stream.indirect_vreg.scatter [tilespmem:s1], [sflag:$0x1], $0x80, v3, vm0, $0xb8;
	[tilespmem:$0x10080] =	vst v63  }
0xb2: {  	s28 =	simm.s32 $0xA880  }
0xb3: {  	[hbm4b:s8+s2] =	stream.indirect_vreg.scatter [tilespmem:s28], [sflag:$0x1], $0x80, v3, vm0, $0xb8;
	[tilespmem:$0x10080] =	vst v63  }
0xb4: {  	s1 =	simm.s32 $0xB080  }
0xb5: {  	[hbm4b:s9+s2] =	stream.indirect_vreg.scatter [tilespmem:s1], [sflag:$0x1], $0x80, v3, vm0, $0xb8;
	[tilespmem:$0x10080] =	vst v63  }
0xb6: {  	s28 =	simm.s32 $0xB880  }
0xb7: {  	[hbm4b:s10+s2] =	stream.indirect_vreg.scatter [tilespmem:s28], [sflag:$0x1], $0x80, v3, vm0, $0xb8;
	[tilespmem:$0x10080] =	vst v63  }
0xb8: {  	v3 =	vld [tilespmem:$0x30];
	_ =	sdelay $0x4  }
0xb9: {  	v63 =	vshll.u32 v3, $0x3  }
0xba: {  	v3 =	vand.u32 $0x7, v3;
	v4 =	vand.u32 $0xFFFFFFC0, v63  }
0xbb: {  	v3 =	vor.u32 v3, v4  }
0xbc: {  	v4 =	vperm.xlane v3, v0;
	_ =	sdelay $0x1  }
0xbd: {  	v4 =	vadd.s32 v1, v4;
	_ =	sdelay $0x3  }
0xbe: {  	s1 =	simm.s32 $0xC080  }
0xbf: {  	[hbm4b:s4+s2] =	stream.indirect_vreg.scatter [tilespmem:s1], [sflag:$0x1], $0x80, v4, vm0, $0xb8;
	[tilespmem:$0x10080] =	vst v63  }
0xc0: {  	s28 =	simm.s32 $0xC880;
	v3 =	vperm.xlane v3, v2  }
0xc1: {  	[hbm4b:s8+s2] =	stream.indirect_vreg.scatter [tilespmem:s28], [sflag:$0x1], $0x80, v4, vm0, $0xb8;
	[tilespmem:$0x10080] =	vst v63  }
0xc2: {  	v3 =	vadd.s32 v1, v3;
	s1 =	simm.s32 $0xD080  }
0xc3: {  	[hbm4b:s9+s2] =	stream.indirect_vreg.scatter [tilespmem:s1], [sflag:$0x1], $0x80, v4, vm0, $0xb8;
	[tilespmem:$0x10080] =	vst v63  }
0xc4: {  	s28 =	simm.s32 $0xD880  }
0xc5: {  	[hbm4b:s10+s2] =	stream.indirect_vreg.scatter [tilespmem:s28], [sflag:$0x1], $0x80, v4, vm0, $0xb8;
	[tilespmem:$0x10080] =	vst v63  }
0xc6: {  	s1 =	simm.s32 $0xE080  }
0xc7: {  	[hbm4b:s4+s2] =	stream.indirect_vreg.scatter [tilespmem:s1], [sflag:$0x1], $0x80, v3, vm0, $0xb8;
	[tilespmem:$0x10080] =	vst v63  }
0xc8: {  	s28 =	simm.s32 $0xE880  }
0xc9: {  	[hbm4b:s8+s2] =	stream.indirect_vreg.scatter [tilespmem:s28], [sflag:$0x1], $0x80, v3, vm0, $0xb8;
	[tilespmem:$0x10080] =	vst v63  }
0xca: {  	p0 =	sne.s32 s11, $0x1;
	s1 =	simm.s32 $0xF080  }
0xcb: {  	[hbm4b:s9+s2] =	stream.indirect_vreg.scatter [tilespmem:s1], [sflag:$0x1], $0x80, v3, vm0, $0xb8;
	[tilespmem:$0x10080] =	vst v63  }
.Ltmp0:
0xcc: {  	s28 =	simm.s32 $0xF880;
	(pc) =	sbr.rel @p0 .LBB2_1-.Ltmp0, $4  }
0xcd: {  	[hbm4b:s10+s2] =	stream.indirect_vreg.scatter [tilespmem:s28], [sflag:$0x1], $0x80, v3, vm0, $0xb8;
	[tilespmem:$0x10080] =	vst v63  }
0xce: {  	_ =	swait.ge [sflag:s26], $0x10000  }
0xcf: {  	[sflag:s26] =	ssyncset.done $0x0  }
0xd0: {  	s11 =	sadd.s32 $0xFFFFFFFF, s11;
	[sflag:s26] =	ssyncadd.s32 $0xFFFF0000  }
0xd1: {  	_ =	sfence.sel $0x180000  }
0xd2: {  	[bflag:$0x0] =	sbarrier.arrive $0xFFFF  }
0xd3: {  	_ =	strace $0x90000047  }
0xd4: {  	s0 =	stileid.u32;
	[bflag:$0x2] =	sbarrier.arrive $0xFFFF  }
0xd5: {  	p0 =	sne.s32 s0, $0x0;
	s0 =	rddreg [dreg:$0x4]  }
0xd6: {  	s0 =	sadd.s32 @!p0 $0x100000, s0  }
0xd7: {  	[sflag:s0] =	ssyncadd.tile.s32 @!p0 $0x1;
	_ =	shalt  }
.Lfunc_end2:
_tile_overlayer_lowered:
.L_overlay_start_2:
0xd8: {  	(tag) =	ssettag $0x2  }
0xd9: {  	s0 =	rddreg [dreg:$0x0];
	s2 =	stileid.u32  }
0xda: {  	s1 =	rddreg [dreg:$0x1];
	p0 =	sne.s32 s2, $0x0  }
0xdb: {  	s3 =	rddreg [dreg:$0x2];
	[bflag:$0x3] =	sbarrier.arrive $0xFFFF;
	s2 =	simm.s32 @!p0 $0x1C02  }
0xdc: {  	[timem:s3], [sflag:s2] =	dma.local @!p0 [hbm:s0], s1  }
0xdd: {  	s0 =	simm.s32 @!p0 $0x2  }
0xde: {  	_ =	swait.ge @!p0 [sflag:s0], s1  }
0xdf: {  	s1 =	ssub.s32 @!p0 $0x0, s1;
	[sflag:s0] =	ssyncset.done @!p0 $0x0  }
0xe0: {  	[sflag:s0] =	ssyncadd.s32 @!p0 s1  }
0xe1: {  	[bflag:$0x3] =	sbarrier.arrive $0xFFFF  }
0xe2: {  	_ =	shalt  }

</sc_bundles>
